<compile_context>
chip_gen: v7x
topology: tpu7x:2x2x1
jax: 0.10.2.dev20260603
libtpu: 0.0.44.dev20260713+nightly
codegen_flags: <defaults>
</compile_context>

<pallas_src>
import functools

import jax
import jax.numpy as jnp
from jax import lax
from jax.experimental import pallas as pl
from jax.experimental.pallas import tpu as pltpu
from jax.experimental.pallas import tpu_sc as plsc

NCLS = 1000
NROWS = 4096 * 26
NW = 32
ROWS_PER_W = NROWS // NW
CHUNK_ROWS = 32
NCHUNK = ROWS_PER_W // CHUNK_ROWS
NBUF = 2
LANES = 16

_mesh = plsc.VectorSubcoreMesh(core_axis_name="c", subcore_axis_name="s")


@functools.partial(
    pl.kernel,
    out_type=jax.ShapeDtypeStruct((NROWS, NCLS), jnp.float32),
    mesh=_mesh,
    scratch_types=[
        pltpu.VMEM((ROWS_PER_W,), jnp.int32),
        pltpu.VMEM((NBUF * CHUNK_ROWS, NCLS), jnp.float32),
        pltpu.VMEM((NBUF * CHUNK_ROWS,), jnp.int32),
        pltpu.SemaphoreType.DMA,
        pltpu.SemaphoreType.DMA,
    ],
    compiler_params=pltpu.CompilerParams(needs_layout_passes=False),
)
def _sc_onehot(x_hbm, out_hbm, idx_v, buf, colbuf, sem0, sem1):
    wid = lax.axis_index("s") * 2 + lax.axis_index("c")
    row0 = wid * ROWS_PER_W
    pltpu.sync_copy(x_hbm.at[pl.ds(row0, ROWS_PER_W)], idx_v)

    zeros = jnp.zeros((LANES,), jnp.float32)
    ones = jnp.ones((LANES,), jnp.float32)
    lane_iota = lax.iota(jnp.int32, LANES)
    tail_mask = lane_iota < (NCLS % LANES)

    def zrow(r, carry):
        for c in range(NCLS // LANES):
            buf[r, pl.ds(c * LANES, LANES)] = zeros
        plsc.store_scatter(
            buf,
            [jnp.full((LANES,), r, jnp.int32), (NCLS // LANES) * LANES + lane_iota],
            zeros,
            mask=tail_mask,
        )
        return carry

    lax.fori_loop(0, NBUF * CHUNK_ROWS, zrow, 0)

    sems = (sem0, sem1)

    def outer(g, carry):
        for b in range(NBUF):
            c = g * NBUF + b

            @pl.when(g >= 1)
            def _wait_and_clear():
                pltpu.make_async_copy(
                    buf.at[pl.ds(b * CHUNK_ROWS, CHUNK_ROWS)],
                    out_hbm.at[pl.ds(0, CHUNK_ROWS)],
                    sems[b],
                ).wait()
                for j in range(CHUNK_ROWS // LANES):
                    rows = b * CHUNK_ROWS + j * LANES + lane_iota
                    old = colbuf[pl.ds(b * CHUNK_ROWS + j * LANES, LANES)]
                    plsc.store_scatter(buf, [rows, old], zeros)

            for j in range(CHUNK_ROWS // LANES):
                rows = b * CHUNK_ROWS + j * LANES + lane_iota
                ids = idx_v[pl.ds(c * CHUNK_ROWS + j * LANES, LANES)]
                plsc.store_scatter(buf, [rows, ids], ones)
                colbuf[pl.ds(b * CHUNK_ROWS + j * LANES, LANES)] = ids

            pltpu.async_copy(
                buf.at[pl.ds(b * CHUNK_ROWS, CHUNK_ROWS)],
                out_hbm.at[pl.ds(row0 + c * CHUNK_ROWS, CHUNK_ROWS)],
                sems[b],
            )
        return carry

    lax.fori_loop(0, NCHUNK // NBUF, outer, 0)

    for b in range(NBUF):
        pltpu.make_async_copy(
            buf.at[pl.ds(b * CHUNK_ROWS, CHUNK_ROWS)],
            out_hbm.at[pl.ds(0, CHUNK_ROWS)],
            sems[b],
        ).wait()


def kernel(x):
    xf = x.reshape(-1).astype(jnp.int32)
    out = _sc_onehot(xf)
    return out.reshape(tuple(x.shape) + (NCLS,))

# --- scband reference (transcript-rebuilt; emitter-appended) ---
"""Pipeline reference for scband-one-hot-encode-1580547974523 (READ-ONLY COPY).

The authoritative reference and input builder live on the scoring server;
editing this copy changes nothing except your own understanding.
"""

import jax, jax.numpy as jnp
import numpy as np

NUM_CLASSES = 1000

def setup_inputs(seed: int = 0) -> dict:
    key = jax.random.key(seed)
    x = jax.random.randint(key, (4096, 26), 0, NUM_CLASSES, dtype=jnp.int64 if jax.config.jax_enable_x64 else jnp.int32)
    return {"x": x}

def reference(x):
    # Faithful translation of one_hot_encoding: view(-1,1), zeros, scatter_(1, idx, 1), view back
    xview = x.reshape(-1)
    n = xview.shape[0]
    onehot = jnp.zeros((n, NUM_CLASSES), dtype=jnp.float32)
    onehot = onehot.at[jnp.arange(n), xview].set(1.0)
    return onehot.reshape(tuple(x.shape) + (NUM_CLASSES,))

if __name__ == "__main__":
    import jax
    _d = setup_inputs()
    print(jax.jit(kernel)(*tuple(_d.values())))

</pallas_src>

<mosaic_0001>
#map = affine_map<(d0, d1) -> (0)>
#map1 = affine_map<(d0, d1) -> (0, 0)>
module attributes {stable_mosaic.version = 14 : i64} {
  func.func @_sc_onehot(%arg0: i32, %arg1: i32, %arg2: memref<106496xi32, #tpu.memory_space<hbm>>, %arg3: memref<106496x1000xf32, #tpu.memory_space<hbm>>, %arg4: memref<3328xi32, #tpu.memory_space<vmem>>, %arg5: memref<64x1000xf32, #tpu.memory_space<vmem>>, %arg6: memref<64xi32, #tpu.memory_space<vmem>>, %arg7: memref<!tpu.dma_semaphore, #tpu.memory_space<semaphore_mem>>, %arg8: memref<!tpu.dma_semaphore, #tpu.memory_space<semaphore_mem>>) attributes {dimension_semantics = [#tpu.dimension_semantics<core_parallel>, #tpu.dimension_semantics<subcore_parallel>], iteration_bounds = array<i64: 2, 16>, scalar_prefetch = 0 : i64, scratch_operands = 5 : i64, tpu.core_type = #tpu.core_type<sc_vector_subcore>, window_params = [{transform_indices = #map}, {transform_indices = #map1}]} {
    %mul3A = arith.constant 2 : i32
    %mul3A_0 = arith.muli %arg1, %mul3A : i32
    %add3A = arith.addi %mul3A_0, %arg0 : i32
    %mul3A_1 = arith.constant 3328 : i32
    %mul3A_2 = arith.muli %add3A, %mul3A_1 : i32
    "tpu.region"() ({
      %run_scoped3A = tpu.sem_alloc : memref<!tpu.dma_semaphore, #tpu.memory_space<semaphore_mem>>
      %dma_start3A = tpu.memref_slice %arg2[%mul3A_2] : memref<106496xi32, #tpu.memory_space<hbm>> -> memref<3328xi32, #tpu.memory_space<hbm>>
      %dma_start3A_42 = tpu.memref_slice %arg2[%mul3A_2] : memref<106496xi32, #tpu.memory_space<hbm>> -> memref<3328xi32, #tpu.memory_space<hbm>>
      tpu.enqueue_dma source(%dma_start3A_42 : memref<3328xi32, #tpu.memory_space<hbm>>) target(%arg4 : memref<3328xi32, #tpu.memory_space<vmem>>) target_semaphore(%run_scoped3A : memref<!tpu.dma_semaphore, #tpu.memory_space<semaphore_mem>>)
      %dma_wait3A_43 = tpu.memref_slice %arg2[%mul3A_2] : memref<106496xi32, #tpu.memory_space<hbm>> -> memref<3328xi32, #tpu.memory_space<hbm>>
      %dma_wait3A_44 = tpu.memref_slice %arg2[%mul3A_2] : memref<106496xi32, #tpu.memory_space<hbm>> -> memref<3328xi32, #tpu.memory_space<hbm>>
      tpu.wait_dma2 semaphore(%run_scoped3A : memref<!tpu.dma_semaphore, #tpu.memory_space<semaphore_mem>>) src(%dma_wait3A_44 : memref<3328xi32, #tpu.memory_space<hbm>>) dst(%arg4 : memref<3328xi32, #tpu.memory_space<vmem>>)
      tpu.yield
    }) : () -> ()
    %broadcast_in_dim3A = arith.constant 0.000000e+00 : f32
    %broadcast_in_dim3A_3 = vector.broadcast %broadcast_in_dim3A : f32 to vector<16xf32>
    %broadcast_in_dim3A_4 = arith.constant 1.000000e+00 : f32
    %broadcast_in_dim3A_5 = vector.broadcast %broadcast_in_dim3A_4 : f32 to vector<16xf32>
    %iota3A = tpu.iota {dimensions = array<i32: 0>} : vector<16xi32>
    %lt3A = arith.constant 8 : i32
    %lt3A_6 = vector.broadcast %lt3A : i32 to vector<16xi32>
    %lt3A_7 = arith.cmpi slt, %iota3A, %lt3A_6 : vector<16xi32>
    %scan3A = arith.constant 0 : i32
    %scan3A_8 = arith.constant 0 : i32
    %scan3A_9 = arith.constant 64 : i32
    %scan3A_10 = arith.addi %scan3A_8, %scan3A_9 : i32
    %scan3A_11 = arith.constant 1 : i32
    scf.for %scan3A_42 = %scan3A_8 to %scan3A_10 step %scan3A_11  : i32 {
      %swap3A = arith.index_cast %scan3A_42 : i32 to index
      %swap3A_43 = arith.constant 0 : index
      %swap3A_44 = tpu.vector_load %arg5[%swap3A, %swap3A_43] {strides = array<i32>} : memref<64x1000xf32, #tpu.memory_space<vmem>>, vector<16xf32>,
      tpu.vector_store %arg5[%swap3A, %swap3A_43], %broadcast_in_dim3A_3 {strides = array<i32>} : memref<64x1000xf32, #tpu.memory_space<vmem>>, vector<16xf32>,
      %swap3A_45 = arith.index_cast %scan3A_42 : i32 to index
      %swap3A_46 = arith.constant 16 : index
      %swap3A_47 = tpu.vector_load %arg5[%swap3A_45, %swap3A_46] {strides = array<i32>} : memref<64x1000xf32, #tpu.memory_space<vmem>>, vector<16xf32>,
      tpu.vector_store %arg5[%swap3A_45, %swap3A_46], %broadcast_in_dim3A_3 {strides = array<i32>} : memref<64x1000xf32, #tpu.memory_space<vmem>>, vector<16xf32>,
      %swap3A_48 = arith.index_cast %scan3A_42 : i32 to index
      %swap3A_49 = arith.constant 32 : index
      %swap3A_50 = tpu.vector_load %arg5[%swap3A_48, %swap3A_49] {strides = array<i32>} : memref<64x1000xf32, #tpu.memory_space<vmem>>, vector<16xf32>,
      tpu.vector_store %arg5[%swap3A_48, %swap3A_49], %broadcast_in_dim3A_3 {strides = array<i32>} : memref<64x1000xf32, #tpu.memory_space<vmem>>, vector<16xf32>,
      %swap3A_51 = arith.index_cast %scan3A_42 : i32 to index
      %swap3A_52 = arith.constant 48 : index
      %swap3A_53 = tpu.vector_load %arg5[%swap3A_51, %swap3A_52] {strides = array<i32>} : memref<64x1000xf32, #tpu.memory_space<vmem>>, vector<16xf32>,
      tpu.vector_store %arg5[%swap3A_51, %swap3A_52], %broadcast_in_dim3A_3 {strides = array<i32>} : memref<64x1000xf32, #tpu.memory_space<vmem>>, vector<16xf32>,
      %swap3A_54 = arith.index_cast %scan3A_42 : i32 to index
      %swap3A_55 = arith.constant 64 : index
      %swap3A_56 = tpu.vector_load %arg5[%swap3A_54, %swap3A_55] {strides = array<i32>} : memref<64x1000xf32, #tpu.memory_space<vmem>>, vector<16xf32>,
      tpu.vector_store %arg5[%swap3A_54, %swap3A_55], %broadcast_in_dim3A_3 {strides = array<i32>} : memref<64x1000xf32, #tpu.memory_space<vmem>>, vector<16xf32>,
      %swap3A_57 = arith.index_cast %scan3A_42 : i32 to index
      %swap3A_58 = arith.constant 80 : index
      %swap3A_59 = tpu.vector_load %arg5[%swap3A_57, %swap3A_58] {strides = array<i32>} : memref<64x1000xf32, #tpu.memory_space<vmem>>, vector<16xf32>,
      tpu.vector_store %arg5[%swap3A_57, %swap3A_58], %broadcast_in_dim3A_3 {strides = array<i32>} : memref<64x1000xf32, #tpu.memory_space<vmem>>, vector<16xf32>,
      %swap3A_60 = arith.index_cast %scan3A_42 : i32 to index
      %swap3A_61 = arith.constant 96 : index
      %swap3A_62 = tpu.vector_load %arg5[%swap3A_60, %swap3A_61] {strides = array<i32>} : memref<64x1000xf32, #tpu.memory_space<vmem>>, vector<16xf32>,
      tpu.vector_store %arg5[%swap3A_60, %swap3A_61], %broadcast_in_dim3A_3 {strides = array<i32>} : memref<64x1000xf32, #tpu.memory_space<vmem>>, vector<16xf32>,
      %swap3A_63 = arith.index_cast %scan3A_42 : i32 to index
      %swap3A_64 = arith.constant 112 : index
      %swap3A_65 = tpu.vector_load %arg5[%swap3A_63, %swap3A_64] {strides = array<i32>} : memref<64x1000xf32, #tpu.memory_space<vmem>>, vector<16xf32>,
      tpu.vector_store %arg5[%swap3A_63, %swap3A_64], %broadcast_in_dim3A_3 {strides = array<i32>} : memref<64x1000xf32, #tpu.memory_space<vmem>>, vector<16xf32>,
      %swap3A_66 = arith.index_cast %scan3A_42 : i32 to index
      %swap3A_67 = arith.constant 128 : index
      %swap3A_68 = tpu.vector_load %arg5[%swap3A_66, %swap3A_67] {strides = array<i32>} : memref<64x1000xf32, #tpu.memory_space<vmem>>, vector<16xf32>,
      tpu.vector_store %arg5[%swap3A_66, %swap3A_67], %broadcast_in_dim3A_3 {strides = array<i32>} : memref<64x1000xf32, #tpu.memory_space<vmem>>, vector<16xf32>,
      %swap3A_69 = arith.index_cast %scan3A_42 : i32 to index
      %swap3A_70 = arith.constant 144 : index
      %swap3A_71 = tpu.vector_load %arg5[%swap3A_69, %swap3A_70] {strides = array<i32>} : memref<64x1000xf32, #tpu.memory_space<vmem>>, vector<16xf32>,
      tpu.vector_store %arg5[%swap3A_69, %swap3A_70], %broadcast_in_dim3A_3 {strides = array<i32>} : memref<64x1000xf32, #tpu.memory_space<vmem>>, vector<16xf32>,
      %swap3A_72 = arith.index_cast %scan3A_42 : i32 to index
      %swap3A_73 = arith.constant 160 : index
      %swap3A_74 = tpu.vector_load %arg5[%swap3A_72, %swap3A_73] {strides = array<i32>} : memref<64x1000xf32, #tpu.memory_space<vmem>>, vector<16xf32>,
      tpu.vector_store %arg5[%swap3A_72, %swap3A_73], %broadcast_in_dim3A_3 {strides = array<i32>} : memref<64x1000xf32, #tpu.memory_space<vmem>>, vector<16xf32>,
      %swap3A_75 = arith.index_cast %scan3A_42 : i32 to index
      %swap3A_76 = arith.constant 176 : index
      %swap3A_77 = tpu.vector_load %arg5[%swap3A_75, %swap3A_76] {strides = array<i32>} : memref<64x1000xf32, #tpu.memory_space<vmem>>, vector<16xf32>,
      tpu.vector_store %arg5[%swap3A_75, %swap3A_76], %broadcast_in_dim3A_3 {strides = array<i32>} : memref<64x1000xf32, #tpu.memory_space<vmem>>, vector<16xf32>,
      %swap3A_78 = arith.index_cast %scan3A_42 : i32 to index
      %swap3A_79 = arith.constant 192 : index
      %swap3A_80 = tpu.vector_load %arg5[%swap3A_78, %swap3A_79] {strides = array<i32>} : memref<64x1000xf32, #tpu.memory_space<vmem>>, vector<16xf32>,
      tpu.vector_store %arg5[%swap3A_78, %swap3A_79], %broadcast_in_dim3A_3 {strides = array<i32>} : memref<64x1000xf32, #tpu.memory_space<vmem>>, vector<16xf32>,
      %swap3A_81 = arith.index_cast %scan3A_42 : i32 to index
      %swap3A_82 = arith.constant 208 : index
      %swap3A_83 = tpu.vector_load %arg5[%swap3A_81, %swap3A_82] {strides = array<i32>} : memref<64x1000xf32, #tpu.memory_space<vmem>>, vector<16xf32>,
      tpu.vector_store %arg5[%swap3A_81, %swap3A_82], %broadcast_in_dim3A_3 {strides = array<i32>} : memref<64x1000xf32, #tpu.memory_space<vmem>>, vector<16xf32>,
      %swap3A_84 = arith.index_cast %scan3A_42 : i32 to index
      %swap3A_85 = arith.constant 224 : index
      %swap3A_86 = tpu.vector_load %arg5[%swap3A_84, %swap3A_85] {strides = array<i32>} : memref<64x1000xf32, #tpu.memory_space<vmem>>, vector<16xf32>,
      tpu.vector_store %arg5[%swap3A_84, %swap3A_85], %broadcast_in_dim3A_3 {strides = array<i32>} : memref<64x1000xf32, #tpu.memory_space<vmem>>, vector<16xf32>,
      %swap3A_87 = arith.index_cast %scan3A_42 : i32 to index
      %swap3A_88 = arith.constant 240 : index
      %swap3A_89 = tpu.vector_load %arg5[%swap3A_87, %swap3A_88] {strides = array<i32>} : memref<64x1000xf32, #tpu.memory_space<vmem>>, vector<16xf32>,
      tpu.vector_store %arg5[%swap3A_87, %swap3A_88], %broadcast_in_dim3A_3 {strides = array<i32>} : memref<64x1000xf32, #tpu.memory_space<vmem>>, vector<16xf32>,
      %swap3A_90 = arith.index_cast %scan3A_42 : i32 to index
      %swap3A_91 = arith.constant 256 : index
      %swap3A_92 = tpu.vector_load %arg5[%swap3A_90, %swap3A_91] {strides = array<i32>} : memref<64x1000xf32, #tpu.memory_space<vmem>>, vector<16xf32>,
      tpu.vector_store %arg5[%swap3A_90, %swap3A_91], %broadcast_in_dim3A_3 {strides = array<i32>} : memref<64x1000xf32, #tpu.memory_space<vmem>>, vector<16xf32>,
      %swap3A_93 = arith.index_cast %scan3A_42 : i32 to index
      %swap3A_94 = arith.constant 272 : index
      %swap3A_95 = tpu.vector_load %arg5[%swap3A_93, %swap3A_94] {strides = array<i32>} : memref<64x1000xf32, #tpu.memory_space<vmem>>, vector<16xf32>,
      tpu.vector_store %arg5[%swap3A_93, %swap3A_94], %broadcast_in_dim3A_3 {strides = array<i32>} : memref<64x1000xf32, #tpu.memory_space<vmem>>, vector<16xf32>,
      %swap3A_96 = arith.index_cast %scan3A_42 : i32 to index
      %swap3A_97 = arith.constant 288 : index
      %swap3A_98 = tpu.vector_load %arg5[%swap3A_96, %swap3A_97] {strides = array<i32>} : memref<64x1000xf32, #tpu.memory_space<vmem>>, vector<16xf32>,
      tpu.vector_store %arg5[%swap3A_96, %swap3A_97], %broadcast_in_dim3A_3 {strides = array<i32>} : memref<64x1000xf32, #tpu.memory_space<vmem>>, vector<16xf32>,
      %swap3A_99 = arith.index_cast %scan3A_42 : i32 to index
      %swap3A_100 = arith.constant 304 : index
      %swap3A_101 = tpu.vector_load %arg5[%swap3A_99, %swap3A_100] {strides = array<i32>} : memref<64x1000xf32, #tpu.memory_space<vmem>>, vector<16xf32>,
      tpu.vector_store %arg5[%swap3A_99, %swap3A_100], %broadcast_in_dim3A_3 {strides = array<i32>} : memref<64x1000xf32, #tpu.memory_space<vmem>>, vector<16xf32>,
      %swap3A_102 = arith.index_cast %scan3A_42 : i32 to index
      %swap3A_103 = arith.constant 320 : index
      %swap3A_104 = tpu.vector_load %arg5[%swap3A_102, %swap3A_103] {strides = array<i32>} : memref<64x1000xf32, #tpu.memory_space<vmem>>, vector<16xf32>,
      tpu.vector_store %arg5[%swap3A_102, %swap3A_103], %broadcast_in_dim3A_3 {strides = array<i32>} : memref<64x1000xf32, #tpu.memory_space<vmem>>, vector<16xf32>,
      %swap3A_105 = arith.index_cast %scan3A_42 : i32 to index
      %swap3A_106 = arith.constant 336 : index
      %swap3A_107 = tpu.vector_load %arg5[%swap3A_105, %swap3A_106] {strides = array<i32>} : memref<64x1000xf32, #tpu.memory_space<vmem>>, vector<16xf32>,
      tpu.vector_store %arg5[%swap3A_105, %swap3A_106], %broadcast_in_dim3A_3 {strides = array<i32>} : memref<64x1000xf32, #tpu.memory_space<vmem>>, vector<16xf32>,
      %swap3A_108 = arith.index_cast %scan3A_42 : i32 to index
      %swap3A_109 = arith.constant 352 : index
      %swap3A_110 = tpu.vector_load %arg5[%swap3A_108, %swap3A_109] {strides = array<i32>} : memref<64x1000xf32, #tpu.memory_space<vmem>>, vector<16xf32>,
      tpu.vector_store %arg5[%swap3A_108, %swap3A_109], %broadcast_in_dim3A_3 {strides = array<i32>} : memref<64x1000xf32, #tpu.memory_space<vmem>>, vector<16xf32>,
      %swap3A_111 = arith.index_cast %scan3A_42 : i32 to index
      %swap3A_112 = arith.constant 368 : index
      %swap3A_113 = tpu.vector_load %arg5[%swap3A_111, %swap3A_112] {strides = array<i32>} : memref<64x1000xf32, #tpu.memory_space<vmem>>, vector<16xf32>,
      tpu.vector_store %arg5[%swap3A_111, %swap3A_112], %broadcast_in_dim3A_3 {strides = array<i32>} : memref<64x1000xf32, #tpu.memory_space<vmem>>, vector<16xf32>,
      %swap3A_114 = arith.index_cast %scan3A_42 : i32 to index
      %swap3A_115 = arith.constant 384 : index
      %swap3A_116 = tpu.vector_load %arg5[%swap3A_114, %swap3A_115] {strides = array<i32>} : memref<64x1000xf32, #tpu.memory_space<vmem>>, vector<16xf32>,
      tpu.vector_store %arg5[%swap3A_114, %swap3A_115], %broadcast_in_dim3A_3 {strides = array<i32>} : memref<64x1000xf32, #tpu.memory_space<vmem>>, vector<16xf32>,
      %swap3A_117 = arith.index_cast %scan3A_42 : i32 to index
      %swap3A_118 = arith.constant 400 : index
      %swap3A_119 = tpu.vector_load %arg5[%swap3A_117, %swap3A_118] {strides = array<i32>} : memref<64x1000xf32, #tpu.memory_space<vmem>>, vector<16xf32>,
      tpu.vector_store %arg5[%swap3A_117, %swap3A_118], %broadcast_in_dim3A_3 {strides = array<i32>} : memref<64x1000xf32, #tpu.memory_space<vmem>>, vector<16xf32>,
      %swap3A_120 = arith.index_cast %scan3A_42 : i32 to index
      %swap3A_121 = arith.constant 416 : index
      %swap3A_122 = tpu.vector_load %arg5[%swap3A_120, %swap3A_121] {strides = array<i32>} : memref<64x1000xf32, #tpu.memory_space<vmem>>, vector<16xf32>,
      tpu.vector_store %arg5[%swap3A_120, %swap3A_121], %broadcast_in_dim3A_3 {strides = array<i32>} : memref<64x1000xf32, #tpu.memory_space<vmem>>, vector<16xf32>,
      %swap3A_123 = arith.index_cast %scan3A_42 : i32 to index
      %swap3A_124 = arith.constant 432 : index
      %swap3A_125 = tpu.vector_load %arg5[%swap3A_123, %swap3A_124] {strides = array<i32>} : memref<64x1000xf32, #tpu.memory_space<vmem>>, vector<16xf32>,
      tpu.vector_store %arg5[%swap3A_123, %swap3A_124], %broadcast_in_dim3A_3 {strides = array<i32>} : memref<64x1000xf32, #tpu.memory_space<vmem>>, vector<16xf32>,
      %swap3A_126 = arith.index_cast %scan3A_42 : i32 to index
      %swap3A_127 = arith.constant 448 : index
      %swap3A_128 = tpu.vector_load %arg5[%swap3A_126, %swap3A_127] {strides = array<i32>} : memref<64x1000xf32, #tpu.memory_space<vmem>>, vector<16xf32>,
      tpu.vector_store %arg5[%swap3A_126, %swap3A_127], %broadcast_in_dim3A_3 {strides = array<i32>} : memref<64x1000xf32, #tpu.memory_space<vmem>>, vector<16xf32>,
      %swap3A_129 = arith.index_cast %scan3A_42 : i32 to index
      %swap3A_130 = arith.constant 464 : index
      %swap3A_131 = tpu.vector_load %arg5[%swap3A_129, %swap3A_130] {strides = array<i32>} : memref<64x1000xf32, #tpu.memory_space<vmem>>, vector<16xf32>,
      tpu.vector_store %arg5[%swap3A_129, %swap3A_130], %broadcast_in_dim3A_3 {strides = array<i32>} : memref<64x1000xf32, #tpu.memory_space<vmem>>, vector<16xf32>,
      %swap3A_132 = arith.index_cast %scan3A_42 : i32 to index
      %swap3A_133 = arith.constant 480 : index
      %swap3A_134 = tpu.vector_load %arg5[%swap3A_132, %swap3A_133] {strides = array<i32>} : memref<64x1000xf32, #tpu.memory_space<vmem>>, vector<16xf32>,
      tpu.vector_store %arg5[%swap3A_132, %swap3A_133], %broadcast_in_dim3A_3 {strides = array<i32>} : memref<64x1000xf32, #tpu.memory_space<vmem>>, vector<16xf32>,
      %swap3A_135 = arith.index_cast %scan3A_42 : i32 to index
      %swap3A_136 = arith.constant 496 : index
      %swap3A_137 = tpu.vector_load %arg5[%swap3A_135, %swap3A_136] {strides = array<i32>} : memref<64x1000xf32, #tpu.memory_space<vmem>>, vector<16xf32>,
      tpu.vector_store %arg5[%swap3A_135, %swap3A_136], %broadcast_in_dim3A_3 {strides = array<i32>} : memref<64x1000xf32, #tpu.memory_space<vmem>>, vector<16xf32>,
      %swap3A_138 = arith.index_cast %scan3A_42 : i32 to index
      %swap3A_139 = arith.constant 512 : index
      %swap3A_140 = tpu.vector_load %arg5[%swap3A_138, %swap3A_139] {strides = array<i32>} : memref<64x1000xf32, #tpu.memory_space<vmem>>, vector<16xf32>,
      tpu.vector_store %arg5[%swap3A_138, %swap3A_139], %broadcast_in_dim3A_3 {strides = array<i32>} : memref<64x1000xf32, #tpu.memory_space<vmem>>, vector<16xf32>,
      %swap3A_141 = arith.index_cast %scan3A_42 : i32 to index
      %swap3A_142 = arith.constant 528 : index
      %swap3A_143 = tpu.vector_load %arg5[%swap3A_141, %swap3A_142] {strides = array<i32>} : memref<64x1000xf32, #tpu.memory_space<vmem>>, vector<16xf32>,
      tpu.vector_store %arg5[%swap3A_141, %swap3A_142], %broadcast_in_dim3A_3 {strides = array<i32>} : memref<64x1000xf32, #tpu.memory_space<vmem>>, vector<16xf32>,
      %swap3A_144 = arith.index_cast %scan3A_42 : i32 to index
      %swap3A_145 = arith.constant 544 : index
      %swap3A_146 = tpu.vector_load %arg5[%swap3A_144, %swap3A_145] {strides = array<i32>} : memref<64x1000xf32, #tpu.memory_space<vmem>>, vector<16xf32>,
      tpu.vector_store %arg5[%swap3A_144, %swap3A_145], %broadcast_in_dim3A_3 {strides = array<i32>} : memref<64x1000xf32, #tpu.memory_space<vmem>>, vector<16xf32>,
      %swap3A_147 = arith.index_cast %scan3A_42 : i32 to index
      %swap3A_148 = arith.constant 560 : index
      %swap3A_149 = tpu.vector_load %arg5[%swap3A_147, %swap3A_148] {strides = array<i32>} : memref<64x1000xf32, #tpu.memory_space<vmem>>, vector<16xf32>,
      tpu.vector_store %arg5[%swap3A_147, %swap3A_148], %broadcast_in_dim3A_3 {strides = array<i32>} : memref<64x1000xf32, #tpu.memory_space<vmem>>, vector<16xf32>,
      %swap3A_150 = arith.index_cast %scan3A_42 : i32 to index
      %swap3A_151 = arith.constant 576 : index
      %swap3A_152 = tpu.vector_load %arg5[%swap3A_150, %swap3A_151] {strides = array<i32>} : memref<64x1000xf32, #tpu.memory_space<vmem>>, vector<16xf32>,
      tpu.vector_store %arg5[%swap3A_150, %swap3A_151], %broadcast_in_dim3A_3 {strides = array<i32>} : memref<64x1000xf32, #tpu.memory_space<vmem>>, vector<16xf32>,
      %swap3A_153 = arith.index_cast %scan3A_42 : i32 to index
      %swap3A_154 = arith.constant 592 : index
      %swap3A_155 = tpu.vector_load %arg5[%swap3A_153, %swap3A_154] {strides = array<i32>} : memref<64x1000xf32, #tpu.memory_space<vmem>>, vector<16xf32>,
      tpu.vector_store %arg5[%swap3A_153, %swap3A_154], %broadcast_in_dim3A_3 {strides = array<i32>} : memref<64x1000xf32, #tpu.memory_space<vmem>>, vector<16xf32>,
      %swap3A_156 = arith.index_cast %scan3A_42 : i32 to index
      %swap3A_157 = arith.constant 608 : index
      %swap3A_158 = tpu.vector_load %arg5[%swap3A_156, %swap3A_157] {strides = array<i32>} : memref<64x1000xf32, #tpu.memory_space<vmem>>, vector<16xf32>,
      tpu.vector_store %arg5[%swap3A_156, %swap3A_157], %broadcast_in_dim3A_3 {strides = array<i32>} : memref<64x1000xf32, #tpu.memory_space<vmem>>, vector<16xf32>,
      %swap3A_159 = arith.index_cast %scan3A_42 : i32 to index
      %swap3A_160 = arith.constant 624 : index
      %swap3A_161 = tpu.vector_load %arg5[%swap3A_159, %swap3A_160] {strides = array<i32>} : memref<64x1000xf32, #tpu.memory_space<vmem>>, vector<16xf32>,
      tpu.vector_store %arg5[%swap3A_159, %swap3A_160], %broadcast_in_dim3A_3 {strides = array<i32>} : memref<64x1000xf32, #tpu.memory_space<vmem>>, vector<16xf32>,
      %swap3A_162 = arith.index_cast %scan3A_42 : i32 to index
      %swap3A_163 = arith.constant 640 : index
      %swap3A_164 = tpu.vector_load %arg5[%swap3A_162, %swap3A_163] {strides = array<i32>} : memref<64x1000xf32, #tpu.memory_space<vmem>>, vector<16xf32>,
      tpu.vector_store %arg5[%swap3A_162, %swap3A_163], %broadcast_in_dim3A_3 {strides = array<i32>} : memref<64x1000xf32, #tpu.memory_space<vmem>>, vector<16xf32>,
      %swap3A_165 = arith.index_cast %scan3A_42 : i32 to index
      %swap3A_166 = arith.constant 656 : index
      %swap3A_167 = tpu.vector_load %arg5[%swap3A_165, %swap3A_166] {strides = array<i32>} : memref<64x1000xf32, #tpu.memory_space<vmem>>, vector<16xf32>,
      tpu.vector_store %arg5[%swap3A_165, %swap3A_166], %broadcast_in_dim3A_3 {strides = array<i32>} : memref<64x1000xf32, #tpu.memory_space<vmem>>, vector<16xf32>,
      %swap3A_168 = arith.index_cast %scan3A_42 : i32 to index
      %swap3A_169 = arith.constant 672 : index
      %swap3A_170 = tpu.vector_load %arg5[%swap3A_168, %swap3A_169] {strides = array<i32>} : memref<64x1000xf32, #tpu.memory_space<vmem>>, vector<16xf32>,
      tpu.vector_store %arg5[%swap3A_168, %swap3A_169], %broadcast_in_dim3A_3 {strides = array<i32>} : memref<64x1000xf32, #tpu.memory_space<vmem>>, vector<16xf32>,
      %swap3A_171 = arith.index_cast %scan3A_42 : i32 to index
      %swap3A_172 = arith.constant 688 : index
      %swap3A_173 = tpu.vector_load %arg5[%swap3A_171, %swap3A_172] {strides = array<i32>} : memref<64x1000xf32, #tpu.memory_space<vmem>>, vector<16xf32>,
      tpu.vector_store %arg5[%swap3A_171, %swap3A_172], %broadcast_in_dim3A_3 {strides = array<i32>} : memref<64x1000xf32, #tpu.memory_space<vmem>>, vector<16xf32>,
      %swap3A_174 = arith.index_cast %scan3A_42 : i32 to index
      %swap3A_175 = arith.constant 704 : index
      %swap3A_176 = tpu.vector_load %arg5[%swap3A_174, %swap3A_175] {strides = array<i32>} : memref<64x1000xf32, #tpu.memory_space<vmem>>, vector<16xf32>,
      tpu.vector_store %arg5[%swap3A_174, %swap3A_175], %broadcast_in_dim3A_3 {strides = array<i32>} : memref<64x1000xf32, #tpu.memory_space<vmem>>, vector<16xf32>,
      %swap3A_177 = arith.index_cast %scan3A_42 : i32 to index
      %swap3A_178 = arith.constant 720 : index
      %swap3A_179 = tpu.vector_load %arg5[%swap3A_177, %swap3A_178] {strides = array<i32>} : memref<64x1000xf32, #tpu.memory_space<vmem>>, vector<16xf32>,
      tpu.vector_store %arg5[%swap3A_177, %swap3A_178], %broadcast_in_dim3A_3 {strides = array<i32>} : memref<64x1000xf32, #tpu.memory_space<vmem>>, vector<16xf32>,
      %swap3A_180 = arith.index_cast %scan3A_42 : i32 to index
      %swap3A_181 = arith.constant 736 : index
      %swap3A_182 = tpu.vector_load %arg5[%swap3A_180, %swap3A_181] {strides = array<i32>} : memref<64x1000xf32, #tpu.memory_space<vmem>>, vector<16xf32>,
      tpu.vector_store %arg5[%swap3A_180, %swap3A_181], %broadcast_in_dim3A_3 {strides = array<i32>} : memref<64x1000xf32, #tpu.memory_space<vmem>>, vector<16xf32>,
      %swap3A_183 = arith.index_cast %scan3A_42 : i32 to index
      %swap3A_184 = arith.constant 752 : index
      %swap3A_185 = tpu.vector_load %arg5[%swap3A_183, %swap3A_184] {strides = array<i32>} : memref<64x1000xf32, #tpu.memory_space<vmem>>, vector<16xf32>,
      tpu.vector_store %arg5[%swap3A_183, %swap3A_184], %broadcast_in_dim3A_3 {strides = array<i32>} : memref<64x1000xf32, #tpu.memory_space<vmem>>, vector<16xf32>,
      %swap3A_186 = arith.index_cast %scan3A_42 : i32 to index
      %swap3A_187 = arith.constant 768 : index
      %swap3A_188 = tpu.vector_load %arg5[%swap3A_186, %swap3A_187] {strides = array<i32>} : memref<64x1000xf32, #tpu.memory_space<vmem>>, vector<16xf32>,
      tpu.vector_store %arg5[%swap3A_186, %swap3A_187], %broadcast_in_dim3A_3 {strides = array<i32>} : memref<64x1000xf32, #tpu.memory_space<vmem>>, vector<16xf32>,
      %swap3A_189 = arith.index_cast %scan3A_42 : i32 to index
      %swap3A_190 = arith.constant 784 : index
      %swap3A_191 = tpu.vector_load %arg5[%swap3A_189, %swap3A_190] {strides = array<i32>} : memref<64x1000xf32, #tpu.memory_space<vmem>>, vector<16xf32>,
      tpu.vector_store %arg5[%swap3A_189, %swap3A_190], %broadcast_in_dim3A_3 {strides = array<i32>} : memref<64x1000xf32, #tpu.memory_space<vmem>>, vector<16xf32>,
      %swap3A_192 = arith.index_cast %scan3A_42 : i32 to index
      %swap3A_193 = arith.constant 800 : index
      %swap3A_194 = tpu.vector_load %arg5[%swap3A_192, %swap3A_193] {strides = array<i32>} : memref<64x1000xf32, #tpu.memory_space<vmem>>, vector<16xf32>,
      tpu.vector_store %arg5[%swap3A_192, %swap3A_193], %broadcast_in_dim3A_3 {strides = array<i32>} : memref<64x1000xf32, #tpu.memory_space<vmem>>, vector<16xf32>,
      %swap3A_195 = arith.index_cast %scan3A_42 : i32 to index
      %swap3A_196 = arith.constant 816 : index
      %swap3A_197 = tpu.vector_load %arg5[%swap3A_195, %swap3A_196] {strides = array<i32>} : memref<64x1000xf32, #tpu.memory_space<vmem>>, vector<16xf32>,
      tpu.vector_store %arg5[%swap3A_195, %swap3A_196], %broadcast_in_dim3A_3 {strides = array<i32>} : memref<64x1000xf32, #tpu.memory_space<vmem>>, vector<16xf32>,
      %swap3A_198 = arith.index_cast %scan3A_42 : i32 to index
      %swap3A_199 = arith.constant 832 : index
      %swap3A_200 = tpu.vector_load %arg5[%swap3A_198, %swap3A_199] {strides = array<i32>} : memref<64x1000xf32, #tpu.memory_space<vmem>>, vector<16xf32>,
      tpu.vector_store %arg5[%swap3A_198, %swap3A_199], %broadcast_in_dim3A_3 {strides = array<i32>} : memref<64x1000xf32, #tpu.memory_space<vmem>>, vector<16xf32>,
      %swap3A_201 = arith.index_cast %scan3A_42 : i32 to index
      %swap3A_202 = arith.constant 848 : index
      %swap3A_203 = tpu.vector_load %arg5[%swap3A_201, %swap3A_202] {strides = array<i32>} : memref<64x1000xf32, #tpu.memory_space<vmem>>, vector<16xf32>,
      tpu.vector_store %arg5[%swap3A_201, %swap3A_202], %broadcast_in_dim3A_3 {strides = array<i32>} : memref<64x1000xf32, #tpu.memory_space<vmem>>, vector<16xf32>,
      %swap3A_204 = arith.index_cast %scan3A_42 : i32 to index
      %swap3A_205 = arith.constant 864 : index
      %swap3A_206 = tpu.vector_load %arg5[%swap3A_204, %swap3A_205] {strides = array<i32>} : memref<64x1000xf32, #tpu.memory_space<vmem>>, vector<16xf32>,
      tpu.vector_store %arg5[%swap3A_204, %swap3A_205], %broadcast_in_dim3A_3 {strides = array<i32>} : memref<64x1000xf32, #tpu.memory_space<vmem>>, vector<16xf32>,
      %swap3A_207 = arith.index_cast %scan3A_42 : i32 to index
      %swap3A_208 = arith.constant 880 : index
      %swap3A_209 = tpu.vector_load %arg5[%swap3A_207, %swap3A_208] {strides = array<i32>} : memref<64x1000xf32, #tpu.memory_space<vmem>>, vector<16xf32>,
      tpu.vector_store %arg5[%swap3A_207, %swap3A_208], %broadcast_in_dim3A_3 {strides = array<i32>} : memref<64x1000xf32, #tpu.memory_space<vmem>>, vector<16xf32>,
      %swap3A_210 = arith.index_cast %scan3A_42 : i32 to index
      %swap3A_211 = arith.constant 896 : index
      %swap3A_212 = tpu.vector_load %arg5[%swap3A_210, %swap3A_211] {strides = array<i32>} : memref<64x1000xf32, #tpu.memory_space<vmem>>, vector<16xf32>,
      tpu.vector_store %arg5[%swap3A_210, %swap3A_211], %broadcast_in_dim3A_3 {strides = array<i32>} : memref<64x1000xf32, #tpu.memory_space<vmem>>, vector<16xf32>,
      %swap3A_213 = arith.index_cast %scan3A_42 : i32 to index
      %swap3A_214 = arith.constant 912 : index
      %swap3A_215 = tpu.vector_load %arg5[%swap3A_213, %swap3A_214] {strides = array<i32>} : memref<64x1000xf32, #tpu.memory_space<vmem>>, vector<16xf32>,
      tpu.vector_store %arg5[%swap3A_213, %swap3A_214], %broadcast_in_dim3A_3 {strides = array<i32>} : memref<64x1000xf32, #tpu.memory_space<vmem>>, vector<16xf32>,
      %swap3A_216 = arith.index_cast %scan3A_42 : i32 to index
      %swap3A_217 = arith.constant 928 : index
      %swap3A_218 = tpu.vector_load %arg5[%swap3A_216, %swap3A_217] {strides = array<i32>} : memref<64x1000xf32, #tpu.memory_space<vmem>>, vector<16xf32>,
      tpu.vector_store %arg5[%swap3A_216, %swap3A_217], %broadcast_in_dim3A_3 {strides = array<i32>} : memref<64x1000xf32, #tpu.memory_space<vmem>>, vector<16xf32>,
      %swap3A_219 = arith.index_cast %scan3A_42 : i32 to index
      %swap3A_220 = arith.constant 944 : index
      %swap3A_221 = tpu.vector_load %arg5[%swap3A_219, %swap3A_220] {strides = array<i32>} : memref<64x1000xf32, #tpu.memory_space<vmem>>, vector<16xf32>,
      tpu.vector_store %arg5[%swap3A_219, %swap3A_220], %broadcast_in_dim3A_3 {strides = array<i32>} : memref<64x1000xf32, #tpu.memory_space<vmem>>, vector<16xf32>,
      %swap3A_222 = arith.index_cast %scan3A_42 : i32 to index
      %swap3A_223 = arith.constant 960 : index
      %swap3A_224 = tpu.vector_load %arg5[%swap3A_222, %swap3A_223] {strides = array<i32>} : memref<64x1000xf32, #tpu.memory_space<vmem>>, vector<16xf32>,
      tpu.vector_store %arg5[%swap3A_222, %swap3A_223], %broadcast_in_dim3A_3 {strides = array<i32>} : memref<64x1000xf32, #tpu.memory_space<vmem>>, vector<16xf32>,
      %swap3A_225 = arith.index_cast %scan3A_42 : i32 to index
      %swap3A_226 = arith.constant 976 : index
      %swap3A_227 = tpu.vector_load %arg5[%swap3A_225, %swap3A_226] {strides = array<i32>} : memref<64x1000xf32, #tpu.memory_space<vmem>>, vector<16xf32>,
      tpu.vector_store %arg5[%swap3A_225, %swap3A_226], %broadcast_in_dim3A_3 {strides = array<i32>} : memref<64x1000xf32, #tpu.memory_space<vmem>>, vector<16xf32>,
      %broadcast_in_dim3A_228 = vector.broadcast %scan3A_42 : i32 to vector<16xi32>
      %add3A_229 = arith.constant 992 : i32
      %add3A_230 = vector.broadcast %add3A_229 : i32 to vector<16xi32>
      %add3A_231 = arith.addi %add3A_230, %iota3A : vector<16xi32>
      tpu.vector_store_idx %arg5[%broadcast_in_dim3A_228, %add3A_231], %broadcast_in_dim3A_3 masked %lt3A_7 : memref<64x1000xf32, #tpu.memory_space<vmem>>[vector<16xi32>, vector<16xi32>], vector<16xf32>, vector<16xi1>
    }
    %scan3A_12 = arith.constant 64 : i32
    %scan3A_13 = arith.constant 0 : i32
    %scan3A_14 = arith.constant 0 : i32
    %scan3A_15 = arith.constant 52 : i32
    %scan3A_16 = arith.addi %scan3A_14, %scan3A_15 : i32
    %scan3A_17 = arith.constant 1 : i32
    scf.for %scan3A_42 = %scan3A_14 to %scan3A_16 step %scan3A_17  : i32 {
      %mul3A_43 = arith.constant 2 : i32
      %mul3A_44 = arith.muli %scan3A_42, %mul3A_43 : i32
      %add3A_45 = arith.constant 0 : i32
      %add3A_46 = arith.addi %mul3A_44, %add3A_45 : i32
      %ge3A = arith.constant 1 : i32
      %ge3A_47 = arith.cmpi sge, %scan3A_42, %ge3A : i32
      %convert_element_type3A = arith.extui %ge3A_47 : i1 to i32
      %cond3A = arith.constant 0 : i32
      %cond3A_48 = arith.cmpi ne, %convert_element_type3A, %cond3A : i32
      scf.if %cond3A_48 {
        %dma_wait3A_125 = arith.constant 0 : i32
        %dma_wait3A_126 = arith.constant 0 : i32
        %dma_wait3A_127 = tpu.memref_slice %arg5[%dma_wait3A_125, %dma_wait3A_126] : memref<64x1000xf32, #tpu.memory_space<vmem>> -> memref<32x1000xf32, #tpu.memory_space<vmem>>
        %dma_wait3A_128 = arith.constant 0 : i32
        %dma_wait3A_129 = arith.constant 0 : i32
        %dma_wait3A_130 = tpu.memref_slice %arg3[%dma_wait3A_128, %dma_wait3A_129] : memref<106496x1000xf32, #tpu.memory_space<hbm>> -> memref<32x1000xf32, #tpu.memory_space<hbm>>
        %dma_wait3A_131 = arith.constant 0 : i32
        %dma_wait3A_132 = arith.constant 0 : i32
        %dma_wait3A_133 = tpu.memref_slice %arg3[%dma_wait3A_131, %dma_wait3A_132] : memref<106496x1000xf32, #tpu.memory_space<hbm>> -> memref<32x1000xf32, #tpu.memory_space<hbm>>
        %dma_wait3A_134 = arith.constant 0 : i32
        %dma_wait3A_135 = arith.constant 0 : i32
        %dma_wait3A_136 = tpu.memref_slice %arg5[%dma_wait3A_134, %dma_wait3A_135] : memref<64x1000xf32, #tpu.memory_space<vmem>> -> memref<32x1000xf32, #tpu.memory_space<vmem>>
        tpu.wait_dma2 semaphore(%arg7 : memref<!tpu.dma_semaphore, #tpu.memory_space<semaphore_mem>>) src(%dma_wait3A_136 : memref<32x1000xf32, #tpu.memory_space<vmem>>) dst(%dma_wait3A_133 : memref<32x1000xf32, #tpu.memory_space<hbm>>)
        %add3A_137 = arith.constant 0 : i32
        %add3A_138 = vector.broadcast %add3A_137 : i32 to vector<16xi32>
        %add3A_139 = arith.addi %add3A_138, %iota3A : vector<16xi32>
        %get3A_140 = arith.constant 0 : index
        %get3A_141 = tpu.vector_load %arg6[%get3A_140] {strides = array<i32>} : memref<64xi32, #tpu.memory_space<vmem>>, vector<16xi32>,
        tpu.vector_store_idx %arg5[%add3A_139, %get3A_141], %broadcast_in_dim3A_3 : memref<64x1000xf32, #tpu.memory_space<vmem>>[vector<16xi32>, vector<16xi32>], vector<16xf32>,
        %add3A_142 = arith.constant 16 : i32
        %add3A_143 = vector.broadcast %add3A_142 : i32 to vector<16xi32>
        %add3A_144 = arith.addi %add3A_143, %iota3A : vector<16xi32>
        %get3A_145 = arith.constant 16 : index
        %get3A_146 = tpu.vector_load %arg6[%get3A_145] {strides = array<i32>} : memref<64xi32, #tpu.memory_space<vmem>>, vector<16xi32>,
        tpu.vector_store_idx %arg5[%add3A_144, %get3A_146], %broadcast_in_dim3A_3 : memref<64x1000xf32, #tpu.memory_space<vmem>>[vector<16xi32>, vector<16xi32>], vector<16xf32>,
      } else {
      }
      %add3A_49 = arith.constant 0 : i32
      %add3A_50 = vector.broadcast %add3A_49 : i32 to vector<16xi32>
      %add3A_51 = arith.addi %add3A_50, %iota3A : vector<16xi32>
      %mul3A_52 = arith.constant 32 : i32
      %mul3A_53 = arith.muli %add3A_46, %mul3A_52 : i32
      %add3A_54 = arith.constant 0 : i32
      %add3A_55 = arith.addi %mul3A_53, %add3A_54 : i32
      %get3A = arith.index_cast %add3A_55 : i32 to index
      %get3A_56 = tpu.vector_load %arg4[%get3A] {strides = array<i32>} : memref<3328xi32, #tpu.memory_space<vmem>>, vector<16xi32>,
      tpu.vector_store_idx %arg5[%add3A_51, %get3A_56], %broadcast_in_dim3A_5 : memref<64x1000xf32, #tpu.memory_space<vmem>>[vector<16xi32>, vector<16xi32>], vector<16xf32>,
      %swap3A = arith.constant 0 : index
      %swap3A_57 = tpu.vector_load %arg6[%swap3A] {strides = array<i32>} : memref<64xi32, #tpu.memory_space<vmem>>, vector<16xi32>,
      tpu.vector_store %arg6[%swap3A], %get3A_56 {strides = array<i32>} : memref<64xi32, #tpu.memory_space<vmem>>, vector<16xi32>,
      %add3A_58 = arith.constant 16 : i32
      %add3A_59 = vector.broadcast %add3A_58 : i32 to vector<16xi32>
      %add3A_60 = arith.addi %add3A_59, %iota3A : vector<16xi32>
      %mul3A_61 = arith.constant 32 : i32
      %mul3A_62 = arith.muli %add3A_46, %mul3A_61 : i32
      %add3A_63 = arith.constant 16 : i32
      %add3A_64 = arith.addi %mul3A_62, %add3A_63 : i32
      %get3A_65 = arith.index_cast %add3A_64 : i32 to index
      %get3A_66 = tpu.vector_load %arg4[%get3A_65] {strides = array<i32>} : memref<3328xi32, #tpu.memory_space<vmem>>, vector<16xi32>,
      tpu.vector_store_idx %arg5[%add3A_60, %get3A_66], %broadcast_in_dim3A_5 : memref<64x1000xf32, #tpu.memory_space<vmem>>[vector<16xi32>, vector<16xi32>], vector<16xf32>,
      %swap3A_67 = arith.constant 16 : index
      %swap3A_68 = tpu.vector_load %arg6[%swap3A_67] {strides = array<i32>} : memref<64xi32, #tpu.memory_space<vmem>>, vector<16xi32>,
      tpu.vector_store %arg6[%swap3A_67], %get3A_66 {strides = array<i32>} : memref<64xi32, #tpu.memory_space<vmem>>, vector<16xi32>,
      %mul3A_69 = arith.constant 32 : i32
      %mul3A_70 = arith.muli %add3A_46, %mul3A_69 : i32
      %add3A_71 = arith.addi %mul3A_2, %mul3A_70 : i32
      %dma_start3A = arith.constant 0 : i32
      %dma_start3A_72 = arith.constant 0 : i32
      %dma_start3A_73 = tpu.memref_slice %arg5[%dma_start3A, %dma_start3A_72] : memref<64x1000xf32, #tpu.memory_space<vmem>> -> memref<32x1000xf32, #tpu.memory_space<vmem>>
      %dma_start3A_74 = arith.constant 0 : i32
      %dma_start3A_75 = tpu.memref_slice %arg3[%add3A_71, %dma_start3A_74] : memref<106496x1000xf32, #tpu.memory_space<hbm>> -> memref<32x1000xf32, #tpu.memory_space<hbm>>
      %dma_start3A_76 = arith.constant 0 : i32
      %dma_start3A_77 = tpu.memref_slice %arg3[%add3A_71, %dma_start3A_76] : memref<106496x1000xf32, #tpu.memory_space<hbm>> -> memref<32x1000xf32, #tpu.memory_space<hbm>>
      %dma_start3A_78 = arith.constant 0 : i32
      %dma_start3A_79 = arith.constant 0 : i32
      %dma_start3A_80 = tpu.memref_slice %arg5[%dma_start3A_78, %dma_start3A_79] : memref<64x1000xf32, #tpu.memory_space<vmem>> -> memref<32x1000xf32, #tpu.memory_space<vmem>>
      tpu.enqueue_dma source(%dma_start3A_80 : memref<32x1000xf32, #tpu.memory_space<vmem>>) target(%dma_start3A_77 : memref<32x1000xf32, #tpu.memory_space<hbm>>) target_semaphore(%arg7 : memref<!tpu.dma_semaphore, #tpu.memory_space<semaphore_mem>>)
      %mul3A_81 = arith.constant 2 : i32
      %mul3A_82 = arith.muli %scan3A_42, %mul3A_81 : i32
      %add3A_83 = arith.constant 1 : i32
      %add3A_84 = arith.addi %mul3A_82, %add3A_83 : i32
      %ge3A_85 = arith.constant 1 : i32
      %ge3A_86 = arith.cmpi sge, %scan3A_42, %ge3A_85 : i32
      %convert_element_type3A_87 = arith.extui %ge3A_86 : i1 to i32
      %cond3A_88 = arith.constant 0 : i32
      %cond3A_89 = arith.cmpi ne, %convert_element_type3A_87, %cond3A_88 : i32
      scf.if %cond3A_89 {
        %dma_wait3A_125 = arith.constant 32 : i32
        %dma_wait3A_126 = arith.constant 0 : i32
        %dma_wait3A_127 = tpu.memref_slice %arg5[%dma_wait3A_125, %dma_wait3A_126] : memref<64x1000xf32, #tpu.memory_space<vmem>> -> memref<32x1000xf32, #tpu.memory_space<vmem>>
        %dma_wait3A_128 = arith.constant 0 : i32
        %dma_wait3A_129 = arith.constant 0 : i32
        %dma_wait3A_130 = tpu.memref_slice %arg3[%dma_wait3A_128, %dma_wait3A_129] : memref<106496x1000xf32, #tpu.memory_space<hbm>> -> memref<32x1000xf32, #tpu.memory_space<hbm>>
        %dma_wait3A_131 = arith.constant 0 : i32
        %dma_wait3A_132 = arith.constant 0 : i32
        %dma_wait3A_133 = tpu.memref_slice %arg3[%dma_wait3A_131, %dma_wait3A_132] : memref<106496x1000xf32, #tpu.memory_space<hbm>> -> memref<32x1000xf32, #tpu.memory_space<hbm>>
        %dma_wait3A_134 = arith.constant 32 : i32
        %dma_wait3A_135 = arith.constant 0 : i32
        %dma_wait3A_136 = tpu.memref_slice %arg5[%dma_wait3A_134, %dma_wait3A_135] : memref<64x1000xf32, #tpu.memory_space<vmem>> -> memref<32x1000xf32, #tpu.memory_space<vmem>>
        tpu.wait_dma2 semaphore(%arg8 : memref<!tpu.dma_semaphore, #tpu.memory_space<semaphore_mem>>) src(%dma_wait3A_136 : memref<32x1000xf32, #tpu.memory_space<vmem>>) dst(%dma_wait3A_133 : memref<32x1000xf32, #tpu.memory_space<hbm>>)
        %add3A_137 = arith.constant 32 : i32
        %add3A_138 = vector.broadcast %add3A_137 : i32 to vector<16xi32>
        %add3A_139 = arith.addi %add3A_138, %iota3A : vector<16xi32>
        %get3A_140 = arith.constant 32 : index
        %get3A_141 = tpu.vector_load %arg6[%get3A_140] {strides = array<i32>} : memref<64xi32, #tpu.memory_space<vmem>>, vector<16xi32>,
        tpu.vector_store_idx %arg5[%add3A_139, %get3A_141], %broadcast_in_dim3A_3 : memref<64x1000xf32, #tpu.memory_space<vmem>>[vector<16xi32>, vector<16xi32>], vector<16xf32>,
        %add3A_142 = arith.constant 48 : i32
        %add3A_143 = vector.broadcast %add3A_142 : i32 to vector<16xi32>
        %add3A_144 = arith.addi %add3A_143, %iota3A : vector<16xi32>
        %get3A_145 = arith.constant 48 : index
        %get3A_146 = tpu.vector_load %arg6[%get3A_145] {strides = array<i32>} : memref<64xi32, #tpu.memory_space<vmem>>, vector<16xi32>,
        tpu.vector_store_idx %arg5[%add3A_144, %get3A_146], %broadcast_in_dim3A_3 : memref<64x1000xf32, #tpu.memory_space<vmem>>[vector<16xi32>, vector<16xi32>], vector<16xf32>,
      } else {
      }
      %add3A_90 = arith.constant 32 : i32
      %add3A_91 = vector.broadcast %add3A_90 : i32 to vector<16xi32>
      %add3A_92 = arith.addi %add3A_91, %iota3A : vector<16xi32>
      %mul3A_93 = arith.constant 32 : i32
      %mul3A_94 = arith.muli %add3A_84, %mul3A_93 : i32
      %add3A_95 = arith.constant 0 : i32
      %add3A_96 = arith.addi %mul3A_94, %add3A_95 : i32
      %get3A_97 = arith.index_cast %add3A_96 : i32 to index
      %get3A_98 = tpu.vector_load %arg4[%get3A_97] {strides = array<i32>} : memref<3328xi32, #tpu.memory_space<vmem>>, vector<16xi32>,
      tpu.vector_store_idx %arg5[%add3A_92, %get3A_98], %broadcast_in_dim3A_5 : memref<64x1000xf32, #tpu.memory_space<vmem>>[vector<16xi32>, vector<16xi32>], vector<16xf32>,
      %swap3A_99 = arith.constant 32 : index
      %swap3A_100 = tpu.vector_load %arg6[%swap3A_99] {strides = array<i32>} : memref<64xi32, #tpu.memory_space<vmem>>, vector<16xi32>,
      tpu.vector_store %arg6[%swap3A_99], %get3A_98 {strides = array<i32>} : memref<64xi32, #tpu.memory_space<vmem>>, vector<16xi32>,
      %add3A_101 = arith.constant 48 : i32
      %add3A_102 = vector.broadcast %add3A_101 : i32 to vector<16xi32>
      %add3A_103 = arith.addi %add3A_102, %iota3A : vector<16xi32>
      %mul3A_104 = arith.constant 32 : i32
      %mul3A_105 = arith.muli %add3A_84, %mul3A_104 : i32
      %add3A_106 = arith.constant 16 : i32
      %add3A_107 = arith.addi %mul3A_105, %add3A_106 : i32
      %get3A_108 = arith.index_cast %add3A_107 : i32 to index
      %get3A_109 = tpu.vector_load %arg4[%get3A_108] {strides = array<i32>} : memref<3328xi32, #tpu.memory_space<vmem>>, vector<16xi32>,
      tpu.vector_store_idx %arg5[%add3A_103, %get3A_109], %broadcast_in_dim3A_5 : memref<64x1000xf32, #tpu.memory_space<vmem>>[vector<16xi32>, vector<16xi32>], vector<16xf32>,
      %swap3A_110 = arith.constant 48 : index
      %swap3A_111 = tpu.vector_load %arg6[%swap3A_110] {strides = array<i32>} : memref<64xi32, #tpu.memory_space<vmem>>, vector<16xi32>,
      tpu.vector_store %arg6[%swap3A_110], %get3A_109 {strides = array<i32>} : memref<64xi32, #tpu.memory_space<vmem>>, vector<16xi32>,
      %mul3A_112 = arith.constant 32 : i32
      %mul3A_113 = arith.muli %add3A_84, %mul3A_112 : i32
      %add3A_114 = arith.addi %mul3A_2, %mul3A_113 : i32
      %dma_start3A_115 = arith.constant 32 : i32
      %dma_start3A_116 = arith.constant 0 : i32
      %dma_start3A_117 = tpu.memref_slice %arg5[%dma_start3A_115, %dma_start3A_116] : memref<64x1000xf32, #tpu.memory_space<vmem>> -> memref<32x1000xf32, #tpu.memory_space<vmem>>
      %dma_start3A_118 = arith.constant 0 : i32
      %dma_start3A_119 = tpu.memref_slice %arg3[%add3A_114, %dma_start3A_118] : memref<106496x1000xf32, #tpu.memory_space<hbm>> -> memref<32x1000xf32, #tpu.memory_space<hbm>>
      %dma_start3A_120 = arith.constant 0 : i32
      %dma_start3A_121 = tpu.memref_slice %arg3[%add3A_114, %dma_start3A_120] : memref<106496x1000xf32, #tpu.memory_space<hbm>> -> memref<32x1000xf32, #tpu.memory_space<hbm>>
      %dma_start3A_122 = arith.constant 32 : i32
      %dma_start3A_123 = arith.constant 0 : i32
      %dma_start3A_124 = tpu.memref_slice %arg5[%dma_start3A_122, %dma_start3A_123] : memref<64x1000xf32, #tpu.memory_space<vmem>> -> memref<32x1000xf32, #tpu.memory_space<vmem>>
      tpu.enqueue_dma source(%dma_start3A_124 : memref<32x1000xf32, #tpu.memory_space<vmem>>) target(%dma_start3A_121 : memref<32x1000xf32, #tpu.memory_space<hbm>>) target_semaphore(%arg8 : memref<!tpu.dma_semaphore, #tpu.memory_space<semaphore_mem>>)
    }
    %scan3A_18 = arith.constant 52 : i32
    %dma_wait3A = arith.constant 0 : i32
    %dma_wait3A_19 = arith.constant 0 : i32
    %dma_wait3A_20 = tpu.memref_slice %arg5[%dma_wait3A, %dma_wait3A_19] : memref<64x1000xf32, #tpu.memory_space<vmem>> -> memref<32x1000xf32, #tpu.memory_space<vmem>>
    %dma_wait3A_21 = arith.constant 0 : i32
    %dma_wait3A_22 = arith.constant 0 : i32
    %dma_wait3A_23 = tpu.memref_slice %arg3[%dma_wait3A_21, %dma_wait3A_22] : memref<106496x1000xf32, #tpu.memory_space<hbm>> -> memref<32x1000xf32, #tpu.memory_space<hbm>>
    %dma_wait3A_24 = arith.constant 0 : i32
    %dma_wait3A_25 = arith.constant 0 : i32
    %dma_wait3A_26 = tpu.memref_slice %arg3[%dma_wait3A_24, %dma_wait3A_25] : memref<106496x1000xf32, #tpu.memory_space<hbm>> -> memref<32x1000xf32, #tpu.memory_space<hbm>>
    %dma_wait3A_27 = arith.constant 0 : i32
    %dma_wait3A_28 = arith.constant 0 : i32
    %dma_wait3A_29 = tpu.memref_slice %arg5[%dma_wait3A_27, %dma_wait3A_28] : memref<64x1000xf32, #tpu.memory_space<vmem>> -> memref<32x1000xf32, #tpu.memory_space<vmem>>
    tpu.wait_dma2 semaphore(%arg7 : memref<!tpu.dma_semaphore, #tpu.memory_space<semaphore_mem>>) src(%dma_wait3A_29 : memref<32x1000xf32, #tpu.memory_space<vmem>>) dst(%dma_wait3A_26 : memref<32x1000xf32, #tpu.memory_space<hbm>>)
    %dma_wait3A_30 = arith.constant 32 : i32
    %dma_wait3A_31 = arith.constant 0 : i32
    %dma_wait3A_32 = tpu.memref_slice %arg5[%dma_wait3A_30, %dma_wait3A_31] : memref<64x1000xf32, #tpu.memory_space<vmem>> -> memref<32x1000xf32, #tpu.memory_space<vmem>>
    %dma_wait3A_33 = arith.constant 0 : i32
    %dma_wait3A_34 = arith.constant 0 : i32
    %dma_wait3A_35 = tpu.memref_slice %arg3[%dma_wait3A_33, %dma_wait3A_34] : memref<106496x1000xf32, #tpu.memory_space<hbm>> -> memref<32x1000xf32, #tpu.memory_space<hbm>>
    %dma_wait3A_36 = arith.constant 0 : i32
    %dma_wait3A_37 = arith.constant 0 : i32
    %dma_wait3A_38 = tpu.memref_slice %arg3[%dma_wait3A_36, %dma_wait3A_37] : memref<106496x1000xf32, #tpu.memory_space<hbm>> -> memref<32x1000xf32, #tpu.memory_space<hbm>>
    %dma_wait3A_39 = arith.constant 32 : i32
    %dma_wait3A_40 = arith.constant 0 : i32
    %dma_wait3A_41 = tpu.memref_slice %arg5[%dma_wait3A_39, %dma_wait3A_40] : memref<64x1000xf32, #tpu.memory_space<vmem>> -> memref<32x1000xf32, #tpu.memory_space<vmem>>
    tpu.wait_dma2 semaphore(%arg8 : memref<!tpu.dma_semaphore, #tpu.memory_space<semaphore_mem>>) src(%dma_wait3A_41 : memref<32x1000xf32, #tpu.memory_space<vmem>>) dst(%dma_wait3A_38 : memref<32x1000xf32, #tpu.memory_space<hbm>>)
    return
  }
}

</mosaic_0001>

<sc_bundles>
// kernel: kernel.3.cloned.1.call-start
scs
__scs_entry_jumppad:
0x0: {  	(pc) =	sbr.rel $0x88, $3  }
0x1: {  	(tag) =	ssettag $0x0;
	lr =	simm.s32 $0x1  }
0x2: {  	[smem:$0x3FA0] =	sst lr;
	_ =	strace $0xD0000000  }
0x3: {  	_ = 	snop  }
0x4: {  	_ = 	snop  }
0x5: {  	_ = 	snop  }
0x6: {  	_ = 	snop  }
0x7: {  	_ = 	snop  }
__scs_overlays_trampoline_lowered:
0x8: {  	[smem:$0x3FAF] =	sst s0  }
0x9: {  	[smem:$0x3FB0] =	sst s1  }
0xa: {  	[smem:$0x3FB1] =	sst s2  }
0xb: {  	[smem:$0x3FB2] =	sst s3  }
0xc: {  	[smem:$0x3FB3] =	sst s4  }
0xd: {  	[smem:$0x3FB4] =	sst s5  }
0xe: {  	[smem:$0x3FB5] =	sst s6  }
0xf: {  	[smem:$0x3FB6] =	sst s7  }
0x10: {  	[smem:$0x3FB7] =	sst s8  }
0x11: {  	[smem:$0x3FB8] =	sst s9;
	s0 =	simm.s32 @!p0 $0x0  }
0x12: {  	s1 =	sld [smem:$0x3F9E];
	s0 =	simm.s32 @p0 $0x1  }
0x13: {  	[smem:$0x3FB9] =	sst s0;
	s0 =	simm.s32 @!p1 $0x0  }
0x14: {  	s2 =	sld [smem:$0x3F9D];
	s0 =	simm.s32 @p1 $0x1  }
0x15: {  	[smem:$0x3FBA] =	sst s0;
	s0 =	simm.s32 @!p2 $0x0  }
0x16: {  	s3 =	sld [smem:$0x3FDB];
	s0 =	simm.s32 @p2 $0x1  }
0x17: {  	s4 =	simm.s32 $0x1BF5;
	[smem:$0x3FBC] =	sst s0  }
0x18: {  	s0 =	sld [smem:$0x3F9F];
	_ =	swait.ge [sflag:s4], $0x0  }
0x19: {  	s7 =	sld [smem:$0x3FA0]  }
0x1a: {  	s8 =	sadd.s32 $0xFFFFE003, lr  }
0x1b: {  	s9 =	sadd.s32 $0xFFFFFEF7, lr;
	s5 =	simm.s32 $0xFFFFFFFF;
	p2 =	slt.u32 s8, $0xFFFFF086  }
0x1c: {  	p1 =	slt.u32 s9, $0xF7A;
	s5 =	simm.s32 @!p2 $0x0  }
0x1d: {  	s5 =	simm.s32 @p1 $0x1;
	p0 =	seq.s32 s7, s2  }
0x1e: {  	s7 =	smul.u32 @!p0 $0xF7A, s2;
	p2 =	seq.s32 @!p0 s5, $0x0  }
0x1f: {  	s9 =	smul.u32 $0xF7A, s1;
	s8 =	simm.s32 @!p0 $0x1BF5;
	p2 =	por !p2, p0  }
0x20: {  	[sflag:s8] =	ssyncset.s32 @!p0 $0xFFFFF086;
	s6 =	sadd.s32 @!p0 s3, s7;
	s7 =	simm.s32 @!p0 $0x108  }
0x21: {  	s3 =	sadd.s32 s3, s9;
	s6 =	sadd.s32 @!p0 $0x88, s6;
	s7 =	simm.s32 @p2 $0x1082  }
0x22: {  	[simem:s7], [sflag:s8] =	dma.local @!p0 [hbm:s6], $0xF7A  }
0x23: {  	s9 =	sor.u32 $0xD0000000, s2;
	s6 =	simm.s32 $0x108;
	_ =	swait.ge @!p0 [sflag:s8], $0x0  }
0x24: {  	s3 =	sadd.s32 $0x88, s3;
	s6 =	simm.s32 @!p1 $0x1082;
	[sflag:s4] =	ssyncset.s32 $0xFFFFF086  }
0x25: {  	[simem:s6], [sflag:s4] =	dma.local [hbm:s3], $0xF7A  }
0x26: {  	[smem:$0x3FA0] =	sst s1;
	(tag) =	ssettag s2;
	_ =	strace s9  }
0x27: {  	s1 =	sld [smem:$0x3FB0]  }
0x28: {  	s2 =	sld [smem:$0x3FB1]  }
0x29: {  	s4 =	sld [smem:$0x3FB3]  }
0x2a: {  	p0 =	seq.s32 s5, $0x0;
	s5 =	sld [smem:$0x3FB4]  }
0x2b: {  	s6 =	sld [smem:$0x3FB5]  }
0x2c: {  	s7 =	sld [smem:$0x3FB6]  }
0x2d: {  	s3 =	simm.s32 $0x108;
	s8 =	sld [smem:$0x3FB7]  }
0x2e: {  	s3 =	simm.s32 @!p0 $0x1082;
	s9 =	sld [smem:$0x3FB8]  }
0x2f: {  	lr =	sadd.s32 s0, s3;
	s0 =	sld [smem:$0x3FAF]  }
0x30: {  	s3 =	sld [smem:$0x3FB2]  }
0x31: {  	[smem:$0x3FBB] =	sst s10  }
0x32: {  	s10 =	sld [smem:$0x3FB9];
	_ =	sdelay $0x3  }
0x33: {  	p0 =	seq.s32 s10, $0x1;
	s10 =	sld [smem:$0x3FBB];
	_ =	sdelay $0x3  }
0x34: {  	[smem:$0x3FBB] =	sst s10  }
0x35: {  	s10 =	sld [smem:$0x3FBA];
	_ =	sdelay $0x3  }
0x36: {  	p1 =	seq.s32 s10, $0x1;
	s10 =	sld [smem:$0x3FBB];
	_ =	sdelay $0x3  }
0x37: {  	[smem:$0x3FBB] =	sst s10  }
0x38: {  	s10 =	sld [smem:$0x3FBC]  }
0x39: {  	_ = 	snop;
	(pc) =	sbr.ind lr, $3  }
0x3a: {  	_ = 	snop  }
0x3b: {  	_ = 	snop  }
0x3c: {  	p2 =	seq.s32 s10, $0x1;
	s10 =	sld [smem:$0x3FBB]  }
0x3d: {  	_ =	shalt  }
0x3e: {  	_ =	shalt  }
0x3f: {  	_ =	shalt  }
0x40: {  	_ =	shalt  }
0x41: {  	_ =	shalt  }
0x42: {  	_ =	shalt  }
0x43: {  	_ =	shalt  }
0x44: {  	_ =	shalt  }
0x45: {  	_ =	shalt  }
0x46: {  	_ =	shalt  }
0x47: {  	_ =	shalt  }
0x48: {  	_ =	shalt  }
0x49: {  	_ =	shalt  }
0x4a: {  	_ =	shalt  }
0x4b: {  	_ =	shalt  }
0x4c: {  	_ =	shalt  }
0x4d: {  	_ =	shalt  }
0x4e: {  	_ =	shalt  }
0x4f: {  	_ =	shalt  }
0x50: {  	_ =	shalt  }
0x51: {  	_ =	shalt  }
0x52: {  	_ =	shalt  }
0x53: {  	_ =	shalt  }
0x54: {  	_ =	shalt  }
0x55: {  	_ =	shalt  }
0x56: {  	_ =	shalt  }
0x57: {  	_ =	shalt  }
0x58: {  	_ =	shalt  }
0x59: {  	_ =	shalt  }
0x5a: {  	_ =	shalt  }
0x5b: {  	_ =	shalt  }
0x5c: {  	_ =	shalt  }
0x5d: {  	_ =	shalt  }
0x5e: {  	_ =	shalt  }
0x5f: {  	_ =	shalt  }
0x60: {  	_ =	shalt  }
0x61: {  	_ =	shalt  }
0x62: {  	_ =	shalt  }
0x63: {  	_ =	shalt  }
0x64: {  	_ =	shalt  }
0x65: {  	_ =	shalt  }
0x66: {  	_ =	shalt  }
0x67: {  	_ =	shalt  }
0x68: {  	_ =	shalt  }
0x69: {  	_ =	shalt  }
0x6a: {  	_ =	shalt  }
0x6b: {  	_ =	shalt  }
0x6c: {  	_ =	shalt  }
0x6d: {  	_ =	shalt  }
0x6e: {  	_ =	shalt  }
0x6f: {  	_ =	shalt  }
0x70: {  	_ =	shalt  }
0x71: {  	_ =	shalt  }
0x72: {  	_ =	shalt  }
0x73: {  	_ =	shalt  }
0x74: {  	_ =	shalt  }
0x75: {  	_ =	shalt  }
0x76: {  	_ =	shalt  }
0x77: {  	_ =	shalt  }
0x78: {  	_ =	shalt  }
0x79: {  	_ =	shalt  }
0x7a: {  	_ =	shalt  }
0x7b: {  	_ =	shalt  }
0x7c: {  	_ =	shalt  }
0x7d: {  	_ =	shalt  }
0x7e: {  	_ =	shalt  }
0x7f: {  	_ =	shalt  }
0x80: {  	_ =	shalt  }
0x81: {  	_ =	shalt  }
0x82: {  	_ =	shalt  }
0x83: {  	_ =	shalt  }
0x84: {  	_ =	shalt  }
0x85: {  	_ =	shalt  }
0x86: {  	_ =	shalt  }
0x87: {  	_ =	shalt  }
.Lfunc_end0:
.L_simem_size_0:
called_computation.1_lowered:
.L_overlay_start_0:
0x88: {  	s2 =	sld [smem:$0x3FD9]  }
0x89: {  	s3 =	sld [smem:$0x3FFE];
	_ =	sdelay $0x1  }
0x8a: {  	s1 =	srdreg.scid  }
0x8b: {  	s0 =	sand.u32 $0x1, s1  }
0x8c: {  	s17 =	sshll.u32 s0, $0xA;
	s2 =	sadd.s32 s3, s2  }
0x8d: {  	s2 =	sadd.s32 s2, s17  }
0x8e: {  	[smem:$0x3FC7] =	sst s2  }
0x8f: {  	_ = 	snop  }
0x90: {  	s2 =	sld [smem:$0x3FD0];
	(tm) =	ssettm $0x1  }
0x91: {  	s18 =	sld [smem:$0x3FFB];
	_ =	sdelay $0x3  }
0x92: {  	_ =	strace s18  }
0x93: {  	s3 =	sld [smem:$0x3FFC];
	_ =	sdelay $0x3  }
0x94: {  	_ =	strace s3  }
0x95: {  	s3 =	sld [smem:$0x3FFD];
	_ =	sdelay $0x3  }
0x96: {  	_ =	strace s3  }
0x97: {  	_ =	strace $0x8FFFFFFF  }
0x98: {  	s19 =	sld [smem:$0x3FDB];
	_ =	sdelay $0x1  }
0x99: {  	s4 =	simm.s32 $_scs_section_size  }
0x9a: {  	s5 =	simm.s32 $_size__tile_overlayer_lowered;
	s6 =	simm.s32 $_tile_overlayer_lowered  }
0x9b: {  	s22 =	simm.s32 $0x1BFF;
	s21 =	sshll.u32 s6, $0x1;
	s3 =	sadd.s32 s4, s19  }
0x9c: {  	s7 =	simm.s32 $0x0;
	s20 =	sshll.u32 s5, $0x1;
	s5 =	sadd.s32 s21, s3  }
0x9d: {  	[timem:s7], [sflag:s22] =	dma.local [hbm:s5], s20  }
0x9e: {  	_ =	swait.ge [sflag:s22], s20  }
0x9f: {  	s4 =	ssub.s32 $0x0, s20;
	[sflag:s22] =	ssyncset.done $0x0  }
0xa0: {  	[sflag:s22] =	ssyncadd.s32 s4;
	_ =	sdelay $0x1  }
0xa1: {  	s23 =	simm.s32 $0x1B8B  }
0xa2: {  	_ =	swait.ge [sflag:s23], $0x1  }
0xa3: {  	[sflag:s23] =	ssyncset.done $0x0  }
0xa4: {  	s25 =	simm.s32 $0x1B8E;
	s24 =	sld [smem:$0x3FFE];
	[sflag:s23] =	ssyncadd.s32 $0xFFFFFFFF  }
0xa5: {  	s26 =	simm.s32 $execute0_lowered;
	[smem:$0x3FD2] =	sst s25  }
0xa6: {  	s5 =	sshll.u32 s26, $0x1;
	_ =	strace $0x80000046;
	[dreg:$0x1] =	wrdreg $0xFFFFFFFF  }
0xa7: {  	s28 =	simm.s32 $_size_execute0_lowered;
	s3 =	sadd.s32 s3, s5;
	[dreg:$0x0] =	wrdreg $0x0  }
0xa8: {  	s5 =	sshll.u32 s28, $0x1;
	[dreg:$0x2] =	wrdreg s3  }
0xa9: {  	[dreg:$0x3] =	wrdreg s5  }
0xaa: {  	[dreg:$0x4] =	wrdreg $0xC0  }
0xab: {  	_ =	task [dreg:s7], $0x5FFFF  }
0xac: {  	[dreg:$0x1] =	wrdreg $0xFFFFFFFF  }
0xad: {  	[dreg:$0x0] =	wrdreg $0x60  }
0xae: {  	[dreg:$0x2] =	wrdreg s2  }
0xaf: {  	[dreg:$0x3] =	wrdreg s24  }
0xb0: {  	[dreg:$0x4] =	wrdreg $0x9  }
0xb1: {  	_ =	task.clear_ibuf [dreg:s7], $0x5FFFF;
	_ =	strace $0x90000046  }
0xb2: {  	s29 =	simm.s32 $0x9;
	_ =	strace $0x80000048  }
0xb3: {  	_ =	swait.ge [sflag:s29], $0x1  }
0xb4: {  	[sflag:s29] =	ssyncadd.s32 $0xFFFFFFFF  }
0xb5: {  	_ =	strace $0x90000048  }
0xb6: {  	_ =	sfence  }
0xb7: {  	s30 =	sld [smem:$0x0];
	_ =	sdelay $0x2  }
0xb8: {  	s31 =	sshll.u32 s1, $0xD;
	s1 =	sshrl.u32 s1, $0x2  }
0xb9: {  	s3 =	sand.u32 $0x4000, s31;
	s1 =	sadd.s32 s1, s30  }
0xba: {  	s0 =	sor.u32 s3, s0;
	s1 =	sshll.u32 s1, $0x11  }
0xbb: {  	s0 =	sor.u32 s1, s0  }
0xbc: {  	s0 =	sadd.s32 $0x8F2B, s0  }
0xbd: {  	[sflag:s0] =	ssyncadd.remote.s32 $0x1  }
0xbe: {  	_ =	sfence.sel $0xFFFF  }
0xbf: {  	[dreg:$0x0] =	wrdreg $0xFFFFFFFF;
	(pc) =	sbr.abs _section_cstart, $3  }
0xc0: {  	[dreg:$0x1] =	wrdreg $0xFFFFFFFF  }
0xc1: {  	_ =	task.clear_ibuf [dreg:s7], $0x2FFFF;
	_ =	strace $0x9FFFFFFF  }
0xc2: {  	(tm) =	ssettm $0x7FFFFFFF  }
0xc3: {  	_ =	shalt  }
tec
execute0_lowered:
.L_overlay_start_1:
0x0: {  	(tag) =	ssettag $0x1  }
0x1: {  	v0 =	vimm.s32 $0x2380;
	vm14 =	vcmask $0x300  }
0x2: {  	vm13 =	vcmask $0x704;
	vm12 =	vcmask $0xB08;
	vm11 =	vcmask $0xF0C  }
0x3: {  	vm10 =	vcmask $0x1310;
	vm9 =	vcmask $0x1714;
	vm8 =	vcmask $0x1B18  }
0x4: {  	vm7 =	vcmask $0x1F1C;
	vm6 =	vcmask $0x2320;
	vm5 =	vcmask $0x2724  }
0x5: {  	vm4 =	vcmask $0x2B28;
	vm3 =	vcmask $0x2F2C;
	vm2 =	vcmask $0x3330  }
0x6: {  	vm1 =	vcmask $0x3734;
	v2 =	vlaneseq.u32;
	vm0 =	vcmask $0x3B38  }
0x7: {  	v4 =	vimm.s32 $0x6380;
	v5 =	vimm.s32 $0xA380;
	v6 =	vimm.s32 $0xE380  }
0x8: {  	v0 =	vsel vm14, $0x0, v0;
	v4 =	vsel vm14, $0x4000, v4;
	v5 =	vsel vm14, $0x8000, v5  }
0x9: {  	v6 =	vsel vm14, $0xC000, v6;
	v0 =	vsel vm13, $0x80, v0;
	v4 =	vsel vm13, $0x4080, v4  }
0xa: {  	v5 =	vsel vm13, $0x8080, v5;
	v6 =	vsel vm13, $0xC080, v6;
	v0 =	vsel vm12, $0x100, v0  }
0xb: {  	v4 =	vsel vm12, $0x4100, v4;
	v5 =	vsel vm12, $0x8100, v5;
	v6 =	vsel vm12, $0xC100, v6  }
0xc: {  	v0 =	vsel vm11, $0x180, v0;
	v4 =	vsel vm11, $0x4180, v4;
	v5 =	vsel vm11, $0x8180, v5  }
0xd: {  	v6 =	vsel vm11, $0xC180, v6;
	v0 =	vsel vm10, $0x200, v0;
	v4 =	vsel vm10, $0x4200, v4  }
0xe: {  	v5 =	vsel vm10, $0x8200, v5;
	v6 =	vsel vm10, $0xC200, v6;
	v0 =	vsel vm9, $0x280, v0  }
0xf: {  	v4 =	vsel vm9, $0x4280, v4;
	v5 =	vsel vm9, $0x8280, v5;
	v6 =	vsel vm9, $0xC280, v6  }
0x10: {  	v0 =	vsel vm8, $0x300, v0;
	v4 =	vsel vm8, $0x4300, v4;
	v5 =	vsel vm8, $0x8300, v5  }
0x11: {  	v6 =	vsel vm8, $0xC300, v6;
	v0 =	vsel vm7, $0x380, v0;
	v4 =	vsel vm7, $0x4380, v4  }
0x12: {  	v5 =	vsel vm7, $0x8380, v5;
	v6 =	vsel vm7, $0xC380, v6;
	v0 =	vsel vm6, $0x2000, v0  }
0x13: {  	s0 =	stileid.u32;
	s3 =	rddreg [dreg:$0x0];
	v4 =	vsel vm6, $0x6000, v4;
	v5 =	vsel vm6, $0xA000, v5;
	v6 =	vsel vm6, $0xE000, v6  }
0x14: {  	s1 =	srdreg.scid;
	s5 =	rddreg [dreg:$0x1];
	s2 =	simm.s32 $0x0;
	v0 =	vsel vm5, $0x2080, v0;
	v4 =	vsel vm5, $0x6080, v4;
	v5 =	vsel vm5, $0xA080, v5  }
0x15: {  	s9 =	simm.s32 $0x1;
	s10 =	simm.s32 $0x2;
	s11 =	simm.s32 $0x0;
	v6 =	vsel vm5, $0xE080, v6;
	v0 =	vsel vm4, $0x2100, v0;
	v4 =	vsel vm4, $0x6100, v4  }
0x16: {  	s4 =	sand.u32 $0x1, s1;
	s30 =	sshll.u32 s0, $0x1;
	s1 =	rddreg [dreg:$0x2];
	v5 =	vsel vm4, $0xA100, v5;
	v6 =	vsel vm4, $0xE100, v6;
	v1 =	vsel vm3, $0x2180, v0  }
0x17: {  	s6 =	smul.u32 $0xD0000, s0;
	[smem:$0x7FF] =	sst s2;
	s7 =	sor.u32 s4, s30;
	v0 =	vimm.f32 $0.0e+00;
	v4 =	vsel vm3, $0x6180, v4;
	v5 =	vsel vm3, $0xA180, v5  }
0x18: {  	s8 =	ssub.s32 $0x2, s4;
	s4 =	smul.u32 $0x68000, s4;
	_ =	strace $0x80000047;
	v6 =	vsel vm3, $0xE180, v6;
	v1 =	vsel vm2, $0x2200, v1;
	v4 =	vsel vm2, $0x6200, v4  }
0x19: {  	s7 =	smul.u32 $0xD00, s7;
	s5 =	sadd.s32 s6, s5;
	s31 =	sshrl.u32 s8, $0x1;
	v5 =	vsel vm2, $0xA200, v5;
	v6 =	vsel vm2, $0xE200, v6;
	v3 =	vsel vm1, $0x2280, v1  }
0x1a: {  	s6 =	ssub.s32 s8, s31;
	s5 =	sadd.s32 s4, s5;
	s8 =	simm.s32 $0x8D00;
	v1 =	vor.u32 $0x1C60, v2;
	v4 =	vsel vm1, $0x6280, v4;
	v5 =	vsel vm1, $0xA280, v5  }
0x1b: {  	s7 =	sshrl.u32 s7, $0x3;
	s4 =	smax.u32 s6, $0x1;
	s5 =	sadd.s32 $0x800, s5;
	v6 =	vsel vm1, $0xE280, v6;
	v2 =	vsel vm0, $0x2300, v3;
	v3 =	vimm.f32 $1.000000000e+00  }
0x1c: {  	s6 =	simm.s32 $0x3;
	s3 =	sadd.s32 s3, s7;
	s7 =	simm.s32 $0xD00;
	v4 =	vsel vm0, $0x6300, v4;
	v5 =	vsel vm0, $0xA300, v5;
	v6 =	vsel vm0, $0xE300, v6  }
.LBB2_1:
0x1d: {  	[tilespmem:s2], [sflag:$0x3] =	stream.linear.gather [hbm4b:s3+s2], $0xD00, $0x38;
	[tilespmem:$0x10D80] =	vst v63  }
0x1e: {  	_ =	swait.ge [sflag:s6], $0xD00  }
0x1f: {  	s12 =	simm.s32 $0x0;
	s13 =	simm.s32 $0x0;
	[sflag:s6] =	ssyncset.done $0x0  }
0x20: {  	s14 =	simm.s32 $0x0;
	s15 =	simm.s32 $0x0;
	[sflag:s6] =	ssyncadd.s32 $0xFFFFF300  }
.LBB2_2:
0x21: {  	s16 =	sand.u32 $0xE000, s13;
	s17 =	sand.u32 $0x380, s14  }
0x22: {  	s16 =	sor.u32 s17, s16  }
0x23: {  	[tilespmem:s16+$0xD00] =	vst v0  }
0x24: {  	[tilespmem:s16+$0xD10] =	vst v0  }
0x25: {  	[tilespmem:s16+$0xD20] =	vst v0  }
0x26: {  	[tilespmem:s16+$0xD30] =	vst v0  }
0x27: {  	[tilespmem:s16+$0xD40] =	vst v0  }
0x28: {  	[tilespmem:s16+$0xD50] =	vst v0  }
0x29: {  	[tilespmem:s16+$0xD60] =	vst v0  }
0x2a: {  	[tilespmem:s16+$0xD70] =	vst v0  }
0x2b: {  	[tilespmem:s16+$0x1100] =	vst v0  }
0x2c: {  	[tilespmem:s16+$0x1110] =	vst v0  }
0x2d: {  	[tilespmem:s16+$0x1120] =	vst v0  }
0x2e: {  	[tilespmem:s16+$0x1130] =	vst v0  }
0x2f: {  	[tilespmem:s16+$0x1140] =	vst v0  }
0x30: {  	[tilespmem:s16+$0x1150] =	vst v0  }
0x31: {  	[tilespmem:s16+$0x1160] =	vst v0  }
0x32: {  	[tilespmem:s16+$0x1170] =	vst v0  }
0x33: {  	[tilespmem:s16+$0x1500] =	vst v0  }
0x34: {  	[tilespmem:s16+$0x1510] =	vst v0  }
0x35: {  	[tilespmem:s16+$0x1520] =	vst v0  }
0x36: {  	[tilespmem:s16+$0x1530] =	vst v0  }
0x37: {  	[tilespmem:s16+$0x1540] =	vst v0  }
0x38: {  	[tilespmem:s16+$0x1550] =	vst v0  }
0x39: {  	[tilespmem:s16+$0x1560] =	vst v0  }
0x3a: {  	[tilespmem:s16+$0x1570] =	vst v0  }
0x3b: {  	[tilespmem:s16+$0x1900] =	vst v0  }
0x3c: {  	[tilespmem:s16+$0x1910] =	vst v0  }
0x3d: {  	[tilespmem:s16+$0x1920] =	vst v0  }
0x3e: {  	[tilespmem:s16+$0x1930] =	vst v0  }
0x3f: {  	[tilespmem:s16+$0x1940] =	vst v0  }
0x40: {  	[tilespmem:s16+$0x1950] =	vst v0  }
0x41: {  	[tilespmem:s16+$0x1960] =	vst v0  }
0x42: {  	[tilespmem:s16+$0x1970] =	vst v0  }
0x43: {  	[tilespmem:s16+$0x1D00] =	vst v0  }
0x44: {  	[tilespmem:s16+$0x1D10] =	vst v0  }
0x45: {  	[tilespmem:s16+$0x1D20] =	vst v0  }
0x46: {  	[tilespmem:s16+$0x1D30] =	vst v0  }
0x47: {  	[tilespmem:s16+$0x1D40] =	vst v0  }
0x48: {  	[tilespmem:s16+$0x1D50] =	vst v0  }
0x49: {  	[tilespmem:s16+$0x1D60] =	vst v0  }
0x4a: {  	[tilespmem:s16+$0x1D70] =	vst v0  }
0x4b: {  	[tilespmem:s16+$0x2100] =	vst v0  }
0x4c: {  	[tilespmem:s16+$0x2110] =	vst v0  }
0x4d: {  	[tilespmem:s16+$0x2120] =	vst v0  }
0x4e: {  	[tilespmem:s16+$0x2130] =	vst v0  }
0x4f: {  	[tilespmem:s16+$0x2140] =	vst v0  }
0x50: {  	[tilespmem:s16+$0x2150] =	vst v0  }
0x51: {  	[tilespmem:s16+$0x2160] =	vst v0  }
0x52: {  	[tilespmem:s16+$0x2170] =	vst v0  }
0x53: {  	[tilespmem:s16+$0x2500] =	vst v0  }
0x54: {  	[tilespmem:s16+$0x2510] =	vst v0  }
0x55: {  	[tilespmem:s16+$0x2520] =	vst v0  }
0x56: {  	[tilespmem:s16+$0x2530] =	vst v0  }
0x57: {  	s24 =	sand.u32 $0x7, s12;
	[tilespmem:s16+$0x2540] =	vst v0  }
0x58: {  	v7 =	vmov s15;
	s17 =	sshll.u32 s24, $0x7;
	[tilespmem:s16+$0x2550] =	vst v0  }
0x59: {  	v8 =	vshll.u32 v7, $0x7;
	s17 =	sadd.s32 s17, s13;
	[tilespmem:s16+$0x2560] =	vst v0  }
0x5a: {  	v7 =	vshll.u32 v7, $0xA;
	[tilespmem:s16+$0x2570] =	vst v0;
	v8 =	vand.u32 $0x380, v8;
	s25 =	sor.u32 $0x1C00, s17  }
0x5b: {  	s26 =	sor.u32 $0x1C10, s17;
	v7 =	vor.u32 v8, v7;
	[tilespmem:s25+$0xD00] =	vst v0  }
0x5c: {  	p0 =	sne.s32 s15, $0x3F;
	s28 =	sor.u32 $0x1C20, s17;
	v7 =	vor.u32 v1, v7;
	[tilespmem:s26+$0xD00] =	vst v0  }
.Ltmp0:
0x5d: {  	s29 =	sor.u32 $0x1C30, s17;
	[tilespmem:s28+$0xD00] =	vst v0;
	(pc) =	sbr.rel @p0 .LBB2_2-.Ltmp0, $4  }
0x5e: {  	s30 =	sor.u32 $0x1C40, s17;
	[tilespmem:s29+$0xD00] =	vst v0  }
0x5f: {  	s31 =	sor.u32 $0x1C50, s17;
	[tilespmem:s30+$0xD00] =	vst v0  }
0x60: {  	s14 =	sadd.s32 $0x80, s14;
	[tilespmem:s31+$0xD00] =	vst v0  }
0x61: {  	s12 =	sadd.s32 $0x1, s12;
	s15 =	sadd.s32 $0x1, s15;
	s13 =	sadd.s32 $0x400, s13;
	[tilespmem:v7+s7+$0x0] =	vst.idx.msk $0xff, v0  }
0x62: {  	s12 =	simm.s32 $0x0;
	s13 =	simm.s32 $0x20  }
.LBB2_4:
0x63: {  	p0 =	seq.s32 s12, $0x0  }
0x64: {  	_ =	swait.ge @!p0 [sflag:s9], $0x8000  }
0x65: {  	[sflag:s9] =	ssyncset.done @!p0 $0x0  }
0x66: {  	[sflag:s9] =	ssyncadd.s32 @!p0 $0xFFFF8000  }
0x67: {  	v7 =	vld @!p0 [tilespmem:$0x10D00];
	_ =	sdelay $0x4  }
0x68: {  	v8 =	vshll.u32 @!p0 v7, $0x3  }
0x69: {  	v7 =	vand.u32 @!p0 $0x7F, v7;
	v8 =	vand.u32 @!p0 $0xFFFFFC00, v8  }
0x6a: {  	v7 =	vor.u32 @!p0 v7, v8  }
0x6b: {  	v7 =	vadd.s32 @!p0 v2, v7;
	_ =	sdelay $0x4  }
0x6c: {  	[tilespmem:v7+s7+$0x0] =	vst.idx.msk @!p0 $0xffff, v0  }
0x6d: {  	v7 =	vld @!p0 [tilespmem:$0x10D10];
	_ =	sdelay $0x4  }
0x6e: {  	v8 =	vshll.u32 @!p0 v7, $0x3  }
0x6f: {  	v7 =	vand.u32 @!p0 $0x7F, v7;
	v8 =	vand.u32 @!p0 $0xFFFFFC00, v8  }
0x70: {  	v7 =	vor.u32 @!p0 v7, v8  }
0x71: {  	v7 =	vadd.s32 @!p0 v4, v7;
	_ =	sdelay $0x4  }
0x72: {  	[tilespmem:v7+s7+$0x0] =	vst.idx.msk @!p0 $0xffff, v0  }
0x73: {  	v7 =	vld [tilespmem:s13+$0xFFFFFFE0];
	_ =	sdelay $0x4  }
0x74: {  	v8 =	vshll.u32 v7, $0x3  }
0x75: {  	v9 =	vand.u32 $0x7F, v7;
	v8 =	vand.u32 $0xFFFFFC00, v8  }
0x76: {  	v8 =	vor.u32 v9, v8  }
0x77: {  	v8 =	vadd.s32 v2, v8;
	_ =	sdelay $0x4  }
0x78: {  	[tilespmem:v8+s7+$0x0] =	vst.idx.msk $0xffff, v3  }
0x79: {  	[tilespmem:$0x10D00] =	vst v7  }
0x7a: {  	v7 =	vld [tilespmem:s13+$0xFFFFFFF0];
	_ =	sdelay $0x4  }
0x7b: {  	v8 =	vshll.u32 v7, $0x3  }
0x7c: {  	v61 =	vand.u32 $0x7F, v7;
	v8 =	vand.u32 $0xFFFFFC00, v8  }
0x7d: {  	v8 =	vor.u32 v61, v8  }
0x7e: {  	v8 =	vadd.s32 v4, v8;
	_ =	sdelay $0x4  }
0x7f: {  	[tilespmem:v8+s7+$0x0] =	vst.idx.msk $0xffff, v3  }
0x80: {  	s14 =	sadd.s32 s12, s5;
	[tilespmem:$0x10D10] =	vst v7  }
0x81: {  	[hbm4b:s14+s2] =	stream.linear.scatter [tilespmem:s7], [sflag:$0x1], $0x8000, $0x38;
	[tilespmem:$0x10D80] =	vst v63  }
0x82: {  	_ =	swait.ge @!p0 [sflag:s10], $0x8000  }
0x83: {  	[sflag:s10] =	ssyncset.done @!p0 $0x0  }
0x84: {  	[sflag:s10] =	ssyncadd.s32 @!p0 $0xFFFF8000  }
0x85: {  	v7 =	vld @!p0 [tilespmem:$0x10D20];
	_ =	sdelay $0x4  }
0x86: {  	v8 =	vshll.u32 @!p0 v7, $0x3  }
0x87: {  	v7 =	vand.u32 @!p0 $0x7F, v7;
	v8 =	vand.u32 @!p0 $0xFFFFFC00, v8  }
0x88: {  	v7 =	vor.u32 @!p0 v7, v8  }
0x89: {  	v7 =	vadd.s32 @!p0 v5, v7;
	_ =	sdelay $0x4  }
0x8a: {  	[tilespmem:v7+s7+$0x0] =	vst.idx.msk @!p0 $0xffff, v0  }
0x8b: {  	v7 =	vld @!p0 [tilespmem:$0x10D30];
	_ =	sdelay $0x4  }
0x8c: {  	v8 =	vshll.u32 @!p0 v7, $0x3  }
0x8d: {  	v7 =	vand.u32 @!p0 $0x7F, v7;
	v8 =	vand.u32 @!p0 $0xFFFFFC00, v8  }
0x8e: {  	v7 =	vor.u32 @!p0 v7, v8  }
0x8f: {  	v7 =	vadd.s32 @!p0 v6, v7;
	_ =	sdelay $0x4  }
0x90: {  	[tilespmem:v7+s7+$0x0] =	vst.idx.msk @!p0 $0xffff, v0  }
0x91: {  	v7 =	vld [tilespmem:s13+$0x0];
	_ =	sdelay $0x4  }
0x92: {  	v8 =	vshll.u32 v7, $0x3  }
0x93: {  	v62 =	vand.u32 $0x7F, v7;
	v8 =	vand.u32 $0xFFFFFC00, v8  }
0x94: {  	v8 =	vor.u32 v62, v8  }
0x95: {  	v8 =	vadd.s32 v5, v8;
	_ =	sdelay $0x4  }
0x96: {  	[tilespmem:v8+s7+$0x0] =	vst.idx.msk $0xffff, v3  }
0x97: {  	[tilespmem:$0x10D20] =	vst v7  }
0x98: {  	v7 =	vld [tilespmem:s13+$0x10];
	_ =	sdelay $0x4  }
0x99: {  	v8 =	vshll.u32 v7, $0x3  }
0x9a: {  	v63 =	vand.u32 $0x7F, v7;
	v8 =	vand.u32 $0xFFFFFC00, v8  }
0x9b: {  	v8 =	vor.u32 v63, v8  }
0x9c: {  	v8 =	vadd.s32 v6, v8  }
0x9d: {  	s12 =	sadd.s32 $0x2000, s12  }
0x9e: {  	p0 =	sne.s32 s12, $0x68000  }
.Ltmp1:
0x9f: {  	_ = 	snop;
	(pc) =	sbr.rel @p0 .LBB2_4-.Ltmp1, $4  }
0xa0: {  	_ = 	snop  }
0xa1: {  	[tilespmem:v8+s7+$0x0] =	vst.idx.msk $0xffff, v3  }
0xa2: {  	s14 =	sadd.s32 $0x1000, s14;
	s13 =	sadd.s32 $0x40, s13;
	[tilespmem:$0x10D30] =	vst v7  }
0xa3: {  	[hbm4b:s14+s2] =	stream.linear.scatter [tilespmem:s8], [sflag:$0x2], $0x8000, $0x38;
	[tilespmem:$0x10D80] =	vst v63  }
0xa4: {  	s11 =	sadd.s32 $0x1, s11  }
0xa5: {  	_ =	swait.ge [sflag:s9], $0x8000;
	p0 =	sne.s32 s11, s4  }
.Ltmp2:
0xa6: {  	[sflag:s9] =	ssyncset.done $0x0;
	(pc) =	sbr.rel @p0 .LBB2_1-.Ltmp2, $4  }
0xa7: {  	[sflag:s9] =	ssyncadd.s32 $0xFFFF8000  }
0xa8: {  	_ =	swait.ge [sflag:s10], $0x8000  }
0xa9: {  	[sflag:s10] =	ssyncset.done $0x0  }
0xaa: {  	[sflag:s10] =	ssyncadd.s32 $0xFFFF8000  }
0xab: {  	_ =	sfence.sel $0x180000  }
0xac: {  	[bflag:$0x0] =	sbarrier.arrive $0xFFFF  }
0xad: {  	p0 =	sne.s32 s0, $0x0;
	_ =	strace $0x90000047  }
0xae: {  	s0 =	sadd.s32 @!p0 $0x100000, s1;
	[bflag:$0x2] =	sbarrier.arrive $0xFFFF  }
0xaf: {  	[sflag:s0] =	ssyncadd.tile.s32 @!p0 $0x1;
	_ =	shalt  }
.Lfunc_end2:
_tile_overlayer_lowered:
.L_overlay_start_2:
0xb0: {  	(tag) =	ssettag $0x2  }
0xb1: {  	s0 =	rddreg [dreg:$0x0];
	s2 =	stileid.u32  }
0xb2: {  	s1 =	rddreg [dreg:$0x1];
	p0 =	sne.s32 s2, $0x0  }
0xb3: {  	s3 =	rddreg [dreg:$0x2];
	[bflag:$0x3] =	sbarrier.arrive $0xFFFF;
	s2 =	simm.s32 @!p0 $0x1C03  }
0xb4: {  	[timem:s3], [sflag:s2] =	dma.local @!p0 [hbm:s0], s1  }
0xb5: {  	s0 =	simm.s32 @!p0 $0x3  }
0xb6: {  	_ =	swait.ge @!p0 [sflag:s0], s1  }
0xb7: {  	s1 =	ssub.s32 @!p0 $0x0, s1;
	[sflag:s0] =	ssyncset.done @!p0 $0x0  }
0xb8: {  	[sflag:s0] =	ssyncadd.s32 @!p0 s1  }
0xb9: {  	[bflag:$0x3] =	sbarrier.arrive $0xFFFF  }
0xba: {  	_ =	shalt  }

// kernel: sparse-core-data-format-call.cloned.1.call-start
scs
called_computation_lowered:
.L_overlay_start_0:
0x0: {  	s2 =	sld [smem:$0x3FD9]  }
0x1: {  	s3 =	sld [smem:$0x3FFE];
	_ =	sdelay $0x1  }
0x2: {  	s1 =	srdreg.scid  }
0x3: {  	s0 =	sand.u32 $0x1, s1  }
0x4: {  	s18 =	sshll.u32 s0, $0xA;
	s2 =	sadd.s32 s3, s2  }
0x5: {  	s2 =	sadd.s32 s2, s18  }
0x6: {  	[smem:$0x3FC7] =	sst s2  }
0x7: {  	_ = 	snop  }
0x8: {  	s2 =	sld [smem:$0x3FD0];
	(tm) =	ssettm $0x1  }
0x9: {  	s19 =	sld [smem:$0x3FFB];
	_ =	sdelay $0x3  }
0xa: {  	_ =	strace s19  }
0xb: {  	s3 =	sld [smem:$0x3FFC];
	_ =	sdelay $0x3  }
0xc: {  	_ =	strace s3  }
0xd: {  	s3 =	sld [smem:$0x3FFD];
	_ =	sdelay $0x3  }
0xe: {  	_ =	strace s3  }
0xf: {  	_ =	strace $0x8FFFFFFF  }
0x10: {  	s20 =	sld [smem:$0x3FDB];
	_ =	sdelay $0x1  }
0x11: {  	s4 =	simm.s32 $_scs_section_size  }
0x12: {  	s5 =	simm.s32 $_size__tile_overlayer_lowered;
	s6 =	simm.s32 $_tile_overlayer_lowered  }
0x13: {  	s23 =	simm.s32 $0x1BFF;
	s22 =	sshll.u32 s6, $0x1;
	s3 =	sadd.s32 s4, s20  }
0x14: {  	s7 =	simm.s32 $0x0;
	s21 =	sshll.u32 s5, $0x1;
	s5 =	sadd.s32 s22, s3  }
0x15: {  	[timem:s7], [sflag:s23] =	dma.local [hbm:s5], s21  }
0x16: {  	_ =	swait.ge [sflag:s23], s21  }
0x17: {  	s4 =	ssub.s32 $0x0, s21;
	[sflag:s23] =	ssyncset.done $0x0  }
0x18: {  	[sflag:s23] =	ssyncadd.s32 s4;
	_ =	sdelay $0x1  }
0x19: {  	s24 =	simm.s32 $0x1B8B  }
0x1a: {  	_ =	swait.ge [sflag:s24], $0x1  }
0x1b: {  	[sflag:s24] =	ssyncset.done $0x0  }
0x1c: {  	s26 =	simm.s32 $0x1B8E;
	s25 =	sld [smem:$0x3FFE];
	[sflag:s24] =	ssyncadd.s32 $0xFFFFFFFF  }
0x1d: {  	s27 =	simm.s32 $execute0_lowered;
	[smem:$0x3FD2] =	sst s26  }
0x1e: {  	s5 =	sshll.u32 s27, $0x1;
	_ =	strace $0x80000049;
	[dreg:$0x1] =	wrdreg $0xFFFFFFFF  }
0x1f: {  	s28 =	simm.s32 $_size_execute0_lowered;
	s3 =	sadd.s32 s3, s5;
	[dreg:$0x0] =	wrdreg $0x0  }
0x20: {  	s5 =	sshll.u32 s28, $0x1;
	[dreg:$0x2] =	wrdreg s3  }
0x21: {  	[dreg:$0x3] =	wrdreg s5  }
0x22: {  	[dreg:$0x4] =	wrdreg $0xC0  }
0x23: {  	_ =	task [dreg:s7], $0x5FFFF  }
0x24: {  	[dreg:$0x1] =	wrdreg $0xFFFFFFFF  }
0x25: {  	[dreg:$0x0] =	wrdreg $0x60  }
0x26: {  	[dreg:$0x2] =	wrdreg s25  }
0x27: {  	[dreg:$0x3] =	wrdreg s2  }
0x28: {  	[dreg:$0x4] =	wrdreg $0x9  }
0x29: {  	_ =	task.clear_ibuf [dreg:s7], $0x5FFFF;
	_ =	strace $0x90000049  }
0x2a: {  	s29 =	simm.s32 $0x9;
	_ =	strace $0x8000004B  }
0x2b: {  	_ =	swait.ge [sflag:s29], $0x1  }
0x2c: {  	[sflag:s29] =	ssyncadd.s32 $0xFFFFFFFF  }
0x2d: {  	_ =	strace $0x9000004B  }
0x2e: {  	_ =	sfence  }
0x2f: {  	s30 =	sld [smem:$0x0];
	_ =	sdelay $0x2  }
0x30: {  	s31 =	sshll.u32 s1, $0xD;
	s1 =	sshrl.u32 s1, $0x2  }
0x31: {  	s3 =	sand.u32 $0x4000, s31;
	s1 =	sadd.s32 s1, s30  }
0x32: {  	s0 =	sor.u32 s3, s0;
	s1 =	sshll.u32 s1, $0x11  }
0x33: {  	s0 =	sor.u32 s1, s0  }
0x34: {  	s0 =	sadd.s32 $0x8F2B, s0  }
0x35: {  	[sflag:s0] =	ssyncadd.remote.s32 $0x1  }
0x36: {  	_ =	sfence.sel $0xFFFF  }
0x37: {  	[dreg:$0x0] =	wrdreg $0xFFFFFFFF;
	(pc) =	sbr.abs _section_cstart, $3  }
0x38: {  	[dreg:$0x1] =	wrdreg $0xFFFFFFFF  }
0x39: {  	_ =	task.clear_ibuf [dreg:s7], $0x2FFFF;
	_ =	strace $0x9FFFFFFF  }
0x3a: {  	(tm) =	ssettm $0x7FFFFFFF  }
0x3b: {  	_ =	shalt  }
tec
execute0_lowered:
.L_overlay_start_1:
0x0: {  	(tag) =	ssettag $0x1  }
0x1: {  	s0 =	srdreg.scid;
	s6 =	rddreg [dreg:$0x0]  }
0x2: {  	s3 =	rddreg [dreg:$0x1];
	s1 =	sshll.u32 s0, $0x4  }
0x3: {  	s5 =	simm.s32 $0x1;
	s0 =	stileid.u32;
	s1 =	sand.u32 $0x10, s1  }
0x4: {  	s31 =	simm.s32 $0x2;
	s16 =	simm.s32 $0x0;
	s1 =	sor.u32 s0, s1  }
0x5: {  	s8 =	simm.s32 $0x8000;
	s18 =	simm.s32 $0x0;
	s2 =	sshll.u32 s1, $0x7  }
0x6: {  	s17 =	simm.s32 $0x0;
	s9 =	simm.s32 $0x0;
	s4 =	ssub.s32 $0x1000, s2  }
0x7: {  	s10 =	simm.s32 $0x0;
	s11 =	simm.s32 $0x0;
	s30 =	sand.u32 $0xF80, s4  }
0x8: {  	s12 =	simm.s32 $0x0;
	s13 =	simm.s32 $0x0;
	p0 =	sne.s32 s30, $0x0  }
.Ltmp0:
0x9: {  	s7 =	sshrl.u32 s4, $0xC;
	s5 =	simm.s32 @!p0 $0x0;
	(pc) =	sbr.rel .LBB1_1-.Ltmp0, $4  }
0xa: {  	s15 =	simm.s32 $0x0;
	s1 =	rddreg [dreg:$0x2];
	s5 =	sadd.s32 s5, s7  }
0xb: {  	_ =	strace $0x8000004A;
	s4 =	simm.s32 $0x1;
	s5 =	smul.u32 $0xD0, s5  }
0xc: {  	s6 =	sadd.s32 $0xD00800, s6;
	s14 =	smov.u32 s2;
	[sflag:s4] =	ssyncpa.u1 $0x0  }
0xd: {  	[sflag:s31] =	ssyncpa.u1 $0x0;
	p0 =	por $0x0, $0x0;
	s7 =	sor.u32 $0x1, s5  }
.LBB1_4:
0xe: {  	s23 =	sshra.s32 s23, $0x2;
	s30 =	sshll.u32 s9, $0xC  }
0xf: {  	p1 =	sgt.s32 s10, $0x19;
	s24 =	smov.u32 s10;
	s25 =	sshra.s32 s10, $0x1F  }
0x10: {  	s26 =	sshll.u32 s11, $0x3;
	s28 =	smov.u32 s11;
	s29 =	sshra.s32 s11, $0x1F  }
0x11: {  	s22 =	sadd.s32 s23, s22;
	s24 =	simm.s32 @!p1 $0x19;
	s25 =	sand.u32 s25, s10  }
0x12: {  	s23 =	sand.u32 $0xFFFF8000, s30;
	s27 =	sand.u32 $0xFFFFFC00, s26;
	p1 =	sgt.s32 s9, $0x368  }
0x13: {  	s31 =	sand.u32 s29, s11;
	s29 =	sshll.u32 s9, $0x7;
	s30 =	sshra.s32 s9, $0x1F  }
0x14: {  	[tilespmem:s21+$0x2040 ss:$0x81] =	vst.msk $0xffff, v4;
	s24 =	ssub.s32 s24, s25;
	s23 =	sadd.s32 s27, s23;
	s27 =	smov.u32 s9  }
0x15: {  	[tilespmem:s21+$0x2850 ss:$0x81] =	vst.msk $0xffff, v3;
	s29 =	sand.u32 $0x380, s29;
	s25 =	sadd.s32 $0xFFFFFFE7, s24;
	s27 =	simm.s32 @!p1 $0x368  }
0x16: {  	v5 =	vld [tilespmem:s20+$0xFFFFFFD0];
	[tilespmem:s21+$0x3060 ss:$0x81] =	vst.msk $0xffff, v2;
	p1 =	sgt.s32 s11, $0xF80;
	s23 =	sshrl.u32 s23, $0xC;
	s24 =	ssub.s32 $0x1A, s24  }
0x17: {  	v58 =	vld [tilespmem:s20+$0xFFFFFFE0];
	[tilespmem:s21+$0x0 ss:$0x81] =	vst.msk $0xffff, v1;
	s28 =	simm.s32 @!p1 $0xF80;
	p1 =	sgt.s32 s25, $0x0;
	s21 =	smulhi.u32 $0x418938, s23  }
0x18: {  	v59 =	vld [tilespmem:s20+$0xFFFFFFF0];
	s25 =	ssub.s32 s28, s31;
	s28 =	sand.u32 s30, s9;
	s24 =	simm.s32 @p1 $0x0  }
0x19: {  	v60 =	vld [tilespmem:s20+$0x0];
	s27 =	ssub.s32 s27, s28;
	s31 =	sadd.s32 $0xFFFFF080, s25;
	s25 =	ssub.s32 $0x1000, s25  }
0x1a: {  	v61 =	vld [tilespmem:s20+$0x10];
	[tilespmem:s22+$0x3870 ss:$0x81] =	vst.msk $0xffff, v0;
	s21 =	smul.u32 $0x3E8, s21;
	s28 =	sand.u32 $0x7, s11;
	p1 =	sgt.s32 s31, $0x7F  }
0x1b: {  	v62 =	vld [tilespmem:s20+$0x20];
	[tilespmem:s22+$0x810 ss:$0x81] =	vst.msk $0xffff, v5;
	s30 =	sadd.s32 $0xFFFFFC98, s27;
	s31 =	sand.u32 $0x78, s11;
	s25 =	simm.s32 @p1 $0x0  }
0x1c: {  	v63 =	vld [tilespmem:s20+$0xFFFFFFC0];
	[tilespmem:s22+$0x1020 ss:$0x81] =	vst.msk $0xffff, v58;
	p1 =	sgt.s32 s30, $0x7F;
	s30 =	sand.u32 $0xC00, s26;
	s24 =	smul.u32 s25, s24  }
0x1d: {  	[tilespmem:s22+$0x1830 ss:$0x81] =	vst.msk $0xffff, v59;
	s26 =	ssub.s32 $0x3E8, s27;
	s20 =	sor.u32 s31, s30;
	s31 =	smul.u32 $0x7D000, s10  }
0x1e: {  	[tilespmem:s22+$0x2040 ss:$0x81] =	vst.msk $0xffff, v60;
	s21 =	ssub.s32 s23, s21;
	s26 =	simm.s32 @p1 $0x0;
	s20 =	sor.u32 s29, s20  }
0x1f: {  	[tilespmem:s22+$0x2850 ss:$0x81] =	vst.msk $0xffff, v61;
	s26 =	smul.u32 s26, s24;
	s20 =	sshrl.u32 s20, $0x3;
	s27 =	sadd.s32 s3, s31  }
0x20: {  	[tilespmem:s22+$0x3060 ss:$0x81] =	vst.msk $0xffff, v62;
	s21 =	sshll.u32 s21, $0x9;
	s29 =	sshll.u32 s28, $0x12;
	s20 =	sadd.s32 s20, s27  }
0x21: {  	[tilespmem:s22+$0x0 ss:$0x81] =	vst.msk $0xffff, v63;
	s31 =	sor.u32 $0x400, s29;
	s30 =	sand.u32 $0x3FFFFFFF, s26;
	s20 =	sadd.s32 s21, s20  }
0x22: {  	[hbm4b:s20+s31] =	stream.strided.scatter [tilespmem:s19], [sflag:$0x2], s30, s8, s31, $0x20;
	[tilespmem:$0x10100] =	vst v63  }
.LBB1_5:
0x23: {  	p1 =	slt.u32 s15, $0x2  }
0x24: {  	p2 =	sgt.s32 @!p1 s18, $0x19  }
0x25: {  	s19 =	smov.u32 s18;
	s20 =	sshra.s32 @!p1 s18, $0x1F;
	p2 =	por !p2, p1  }
0x26: {  	s18 =	sand.u32 @!p1 s20, s18;
	s19 =	simm.s32 @p2 $0x19  }
0x27: {  	p3 =	sgt.s32 @!p1 s16, $0x368;
	s18 =	ssub.s32 @!p1 s19, s18  }
0x28: {  	p4 =	sgt.s32 @!p1 s17, $0xF80;
	s21 =	sshra.s32 @!p1 s17, $0x1F;
	s19 =	sadd.s32 @!p1 $0xFFFFFFE7, s18  }
0x29: {  	s20 =	smov.u32 s16;
	p2 =	sgt.s32 @!p1 s19, $0x0;
	s19 =	sshra.s32 @!p1 s16, $0x1F  }
0x2a: {  	p4 =	por !p4, p1;
	s16 =	sand.u32 @!p1 s19, s16;
	s19 =	smov.u32 s17  }
0x2b: {  	p3 =	por !p3, p1;
	s17 =	sand.u32 @!p1 s21, s17;
	s19 =	simm.s32 @p4 $0xF80  }
0x2c: {  	s20 =	simm.s32 @p3 $0x368;
	s18 =	ssub.s32 @!p1 $0x1A, s18;
	s17 =	ssub.s32 @!p1 s19, s17  }
0x2d: {  	p2 =	por !p2, p1;
	s16 =	ssub.s32 @!p1 s20, s16;
	s20 =	sadd.s32 @!p1 $0xFFFFF080, s17  }
0x2e: {  	s18 =	simm.s32 @!p2 $0x0;
	p3 =	sgt.s32 @!p1 s20, $0x7F  }
0x2f: {  	s19 =	sadd.s32 @!p1 $0xFFFFFC98, s16;
	s17 =	ssub.s32 @!p1 $0x1000, s17;
	p3 =	por !p3, p1  }
0x30: {  	p2 =	sgt.s32 @!p1 s19, $0x7F;
	s19 =	sadd.s32 $0x80, s12;
	s17 =	simm.s32 @!p3 $0x0  }
0x31: {  	p3 =	sgt.s32 s19, $0x3E7;
	s17 =	smul.u32 @!p1 s17, s18;
	s18 =	simm.s32 $0x1  }
0x32: {  	s16 =	ssub.s32 @!p1 $0x3E8, s16;
	p2 =	por !p2, p1;
	s18 =	simm.s32 @!p3 $0x0  }
0x33: {  	s21 =	smov.u32 s14;
	s16 =	simm.s32 @!p2 $0x0;
	s20 =	sadd.s32 s18, s13  }
0x34: {  	s16 =	smul.u32 @!p1 s16, s17;
	s17 =	sadd.s32 $0x1000, s14;
	p2 =	sgt.s32 s20, $0x19  }
0x35: {  	p0 =	por !p0, !p0;
	s22 =	simm.s32 @!p1 $0x2;
	s21 =	smov.u32 @p2 s17  }
0x36: {  	s19 =	simm.s32 @p3 $0x0;
	s20 =	simm.s32 @p2 $0x0;
	p2 =	sgt.s32 s21, $0xFFF  }
0x37: {  	s18 =	smov.u32 s10;
	s21 =	smov.u32 @p2 s2;
	p2 =	sne.s32 s15, s7  }
.Ltmp1:
0x38: {  	s10 =	smov.u32 s13;
	s16 =	sand.u32 @!p1 $0x3FFFFFFF, s16;
	(pc) =	sbr.rel @!p2 .LBB1_6-.Ltmp1, $4  }
0x39: {  	s17 =	smov.u32 s11;
	s11 =	smov.u32 s14;
	_ =	swait.ge @!p1 [sflag:s22], s16  }
0x3a: {  	s23 =	ssub.s32 @!p1 $0x0, s16;
	s16 =	smov.u32 s9;
	s9 =	smov.u32 s12  }
0x3b: {  	s12 =	smov.u32 s19;
	s13 =	smov.u32 s20;
	[sflag:s22] =	ssyncset.done @!p1 $0x0  }
0x3c: {  	s15 =	sadd.s32 $0x1, s15;
	[sflag:s22] =	ssyncadd.s32 @!p1 s23;
	s14 =	smov.u32 s21  }
.LBB1_1:
0x3d: {  	p1 =	sge.u32 s15, s5  }
0x3e: {  	s31 =	sadd.s32 $0xFFFFFFFF, s15;
	s19 =	sshll.u32 @!p1 s13, $0x7  }
0x3f: {  	s20 =	sxor.u32 @!p1 $0xFFFFFFFF, s15;
	s21 =	sand.u32 @!p1 $0x78, s12;
	s22 =	sand.u32 @!p1 $0x380, s19  }
0x40: {  	s20 =	sshll.u32 @!p1 s20, $0xE;
	s21 =	sor.u32 @!p1 s21, s22;
	s22 =	sshll.u32 @!p1 s14, $0xC  }
0x41: {  	s19 =	sand.u32 @!p1 $0xC00, s19;
	s21 =	sshrl.u32 @!p1 s21, $0x3;
	s22 =	sadd.s32 @!p1 s6, s22  }
0x42: {  	s19 =	sadd.s32 @!p1 s12, s19;
	s21 =	sadd.s32 @!p1 s21, s22;
	s22 =	sand.u32 @!p1 $0x7, s12  }
0x43: {  	s20 =	sand.u32 @!p1 $0x4000, s20;
	s19 =	sand.u32 @!p1 $0xF80, s19;
	s22 =	sshll.u32 @!p1 s22, $0x12  }
0x44: {  	s19 =	sadd.s32 @!p1 s19, s21;
	s21 =	sor.u32 @!p1 $0x80, s22;
	s22 =	simm.s32 @!p1 $0x8000  }
0x45: {  	[tilespmem:s20], [sflag:$0x1] =	stream.strided.gather @!p1 [hbm4b:s19+s21], $0x4000, s22, s21, $0x38;
	[tilespmem:$0x10100] =	vst v63  }
0x46: {  	p1 =	sge.u32 s31, s5  }
.Ltmp2:
0x47: {  	_ = 	snop;
	(pc) =	sbr.rel @p1 .LBB1_5-.Ltmp2, $1  }
0x48: {  	_ =	sdelay $0x3  }
0x49: {  	s19 =	simm.s32 $0x1  }
0x4a: {  	_ =	swait.ge [sflag:s4], $0x4000;
	s19 =	simm.s32 @!p0 $0x0  }
0x4b: {  	[sflag:s4] =	ssyncset.done $0x0;
	s20 =	sshll.u32 s19, $0xE  }
0x4c: {  	[sflag:s4] =	ssyncadd.s32 $0xFFFFC000;
	s20 =	sor.u32 $0x40, s20  }
0x4d: {  	s19 =	smul.u32 $0x10200, s19;
	v0 =	vld [tilespmem:s20+$0x30]  }
0x4e: {  	v1 =	vld [tilespmem:s20+$0xFFFFFFD0]  }
0x4f: {  	s19 =	sshrl.u32 s19, $0x2;
	v5 =	vld [tilespmem:s20+$0xFFFFFFE0]  }
0x50: {  	v6 =	vld [tilespmem:s20+$0xFFFFFFF0];
	s22 =	sor.u32 $0x8000, s19  }
0x51: {  	s31 =	sand.u32 $0x1, s15;
	v4 =	vld [tilespmem:s20+$0x0];
	s21 =	sadd.s32 $0x0, s22  }
0x52: {  	v3 =	vld [tilespmem:s20+$0x10];
	s19 =	smul.u32 $0x10200, s31;
	[tilespmem:s21+$0x3870 ss:$0x81] =	vst.msk $0xffff, v0  }
0x53: {  	v2 =	vld [tilespmem:s20+$0x20];
	[tilespmem:s21+$0x810 ss:$0x81] =	vst.msk $0xffff, v1  }
0x54: {  	s19 =	sshrl.u32 s19, $0x2;
	v1 =	vld [tilespmem:s20+$0xFFFFFFC0];
	[tilespmem:s21+$0x1020 ss:$0x81] =	vst.msk $0xffff, v5;
	s20 =	sadd.s32 $0x80, s20  }
0x55: {  	s23 =	simm.s32 $0x4;
	s24 =	simm.s32 $0x8;
	s19 =	sor.u32 $0x8000, s19;
	[tilespmem:s21+$0x1830 ss:$0x81] =	vst.msk $0xffff, v6;
	v0 =	vld [tilespmem:s20+$0x30]  }
.LBB1_3:
0x56: {  	p1 =	sne.s32 s24, $0x1FC;
	v5 =	vld [tilespmem:s20+$0xFFFFFFD0];
	[tilespmem:s21+$0x2040 ss:$0x81] =	vst.msk $0xffff, v4  }
0x57: {  	v6 =	vld [tilespmem:s20+$0xFFFFFFE0];
	[tilespmem:s21+$0x2850 ss:$0x81] =	vst.msk $0xffff, v3  }
0x58: {  	s25 =	sshra.s32 s23, $0x2;
	s23 =	smov.u32 s24;
	v7 =	vld [tilespmem:s20+$0xFFFFFFF0];
	[tilespmem:s21+$0x3060 ss:$0x81] =	vst.msk $0xffff, v2  }
.Ltmp3:
0x59: {  	v4 =	vld [tilespmem:s20+$0x0];
	[tilespmem:s21+$0x0 ss:$0x81] =	vst.msk $0xffff, v1;
	s21 =	sadd.s32 s25, s22;
	(pc) =	sbr.rel @p1 .LBB1_3-.Ltmp3, $4  }
0x5a: {  	v3 =	vld [tilespmem:s20+$0x10];
	[tilespmem:s21+$0x3870 ss:$0x81] =	vst.msk $0xffff, v0  }
0x5b: {  	[tilespmem:s21+$0x810 ss:$0x81] =	vst.msk $0xffff, v5;
	v2 =	vld [tilespmem:s20+$0x20]  }
0x5c: {  	v1 =	vld [tilespmem:s20+$0xFFFFFFC0];
	[tilespmem:s21+$0x1020 ss:$0x81] =	vst.msk $0xffff, v6;
	s20 =	sadd.s32 $0x80, s20  }
0x5d: {  	s24 =	sadd.s32 $0x4, s24;
	v0 =	vld [tilespmem:s20+$0x30];
	[tilespmem:s21+$0x1830 ss:$0x81] =	vst.msk $0xffff, v7  }
.Ltmp4:
0x5e: {  	_ = 	snop;
	(pc) =	sbr.rel .LBB1_4-.Ltmp4, $1  }
0x5f: {  	_ =	sdelay $0x3  }
.LBB1_6:
0x60: {  	_ =	sfence.sel $0x180000  }
0x61: {  	s2 =	simm.s32 $0x1;
	[bflag:$0x0] =	sbarrier.arrive $0xFFFF  }
0x62: {  	s31 =	simm.s32 $0x2;
	[sflag:s2] =	ssyncpa.u1 $0x1  }
0x63: {  	[sflag:s31] =	ssyncpa.u1 $0x1  }
0x64: {  	p0 =	sne.s32 s0, $0x0;
	_ =	strace $0x9000004A  }
0x65: {  	s0 =	sadd.s32 @!p0 $0x100000, s1;
	[bflag:$0x2] =	sbarrier.arrive $0xFFFF  }
0x66: {  	[sflag:s0] =	ssyncadd.tile.s32 @!p0 $0x1;
	_ =	shalt  }
.Lfunc_end1:
_tile_overlayer_lowered:
.L_overlay_start_2:
0x67: {  	(tag) =	ssettag $0x2  }
0x68: {  	s0 =	rddreg [dreg:$0x0];
	s2 =	stileid.u32  }
0x69: {  	s1 =	rddreg [dreg:$0x1];
	p0 =	sne.s32 s2, $0x0  }
0x6a: {  	s3 =	rddreg [dreg:$0x2];
	[bflag:$0x3] =	sbarrier.arrive $0xFFFF;
	s2 =	simm.s32 @!p0 $0x1C01  }
0x6b: {  	[timem:s3], [sflag:s2] =	dma.local @!p0 [hbm:s0], s1  }
0x6c: {  	s0 =	simm.s32 @!p0 $0x1  }
0x6d: {  	_ =	swait.ge @!p0 [sflag:s0], s1  }
0x6e: {  	s1 =	ssub.s32 @!p0 $0x0, s1;
	[sflag:s0] =	ssyncset.done @!p0 $0x0  }
0x6f: {  	[sflag:s0] =	ssyncadd.s32 @!p0 s1  }
0x70: {  	[bflag:$0x3] =	sbarrier.arrive $0xFFFF  }
0x71: {  	_ =	shalt  }

</sc_bundles>
